<compile_context>
chip_gen: v7x
topology: tpu7x:2x2x1
jax: 0.10.2.dev20260603
libtpu: 0.0.44.dev20260713+nightly
codegen_flags: <defaults>
</compile_context>

<pallas_src>
import functools

import jax
import jax.numpy as jnp
from jax import lax
from jax.experimental import pallas as pl
from jax.experimental.pallas import tpu as pltpu
from jax.experimental.pallas import tpu_sc as plsc

N = 10000
E = 320000
D = 128
DH = D // 2

NC = 2
NS = 16

CHUNK = 128
NBLK = E // CHUNK
BPT = NBLK // NS
XTRA = NBLK - BPT * NS
NB = 4
LOOK = 2
WB_TILES = 10
WB_ROWS = N // WB_TILES
ZROWS = 200


def _sc_aggregate(x2, eidx):
    mesh = plsc.VectorSubcoreMesh(core_axis_name="c", subcore_axis_name="s")

    @functools.partial(
        pl.kernel,
        mesh=mesh,
        out_type=jax.ShapeDtypeStruct((N, D), jnp.float32),
        scratch_types=[
            pltpu.VMEM((BPT + 1, 2, CHUNK), jnp.int32),
            pltpu.VMEM((NB, CHUNK, DH), jnp.float32),
            pltpu.VMEM((ZROWS, DH), jnp.float32),
            pltpu.VMEM_SHARED((N, DH), jnp.float32),
            [pltpu.SemaphoreType.DMA] * NB,
            [pltpu.SemaphoreType.DMA] * NB,
        ],
        compiler_params=pltpu.CompilerParams(use_tc_tiling_on_sc=False),
    )
    def agg_kernel(x_hbm, e_hbm, out_hbm, est, rows, zbuf, acc, gsem, ssem):
        cid = lax.axis_index("c")
        sid = lax.axis_index("s")

        pltpu.sync_copy(e_hbm.at[pl.ds(sid * BPT, BPT)],
                        est.at[pl.ds(0, BPT)])

        @pl.when(sid < XTRA)
        def _():
            pltpu.sync_copy(e_hbm.at[pl.ds(NS * BPT + sid, 1)],
                            est.at[pl.ds(BPT, 1)])

        def remap(c):
            def body(j, _):
                s = pl.ds(j * 16, 16)
                est[c, 0, s] = 2 * est[c, 0, s] + cid
                return 0
            lax.fori_loop(0, CHUNK // 16, body, 0)

        def wait_gather(b):
            pltpu.make_async_copy(x_hbm.at[pl.ds(0, CHUNK)], rows.at[b], gsem[b]).wait()

        def wait_scatter(b):
            pltpu.make_async_copy(x_hbm.at[pl.ds(0, CHUNK)], rows.at[b], ssem[b]).wait()

        def gather(c, b):
            pltpu.async_copy(x_hbm.at[est.at[c, 0]], rows.at[b], gsem[b])

        def scatter(c, b):
            pltpu.async_copy(rows.at[b], acc.at[est.at[c, 1]], ssem[b], add=True)

        for c in range(LOOK + 1):
            remap(c)
        for c in range(LOOK):
            gather(c, c)

        def zrow(i, _):
            for j in range(DH // 16):
                zbuf[i, pl.ds(j * 16, 16)] = jnp.zeros((16,), jnp.float32)
            return 0
        lax.fori_loop(0, ZROWS, zrow, 0)
        base = sid * WB_ROWS

        @pl.when(sid < WB_TILES)
        def _():
            for k in range(WB_ROWS // ZROWS):
                pltpu.sync_copy(zbuf, acc.at[pl.ds(base + k * ZROWS, ZROWS)])
        plsc.subcore_barrier()

        def group(g, _):
            for b in range(NB):
                c = g * NB + b
                b2 = (b + LOOK) % NB
                c2 = c + LOOK

                @pl.when(c + LOOK + 1 < BPT)
                def _():
                    remap(c + LOOK + 1)

                @pl.when(c2 < BPT)
                def _():
                    @pl.when(c >= NB - LOOK)
                    def _():
                        wait_scatter(b2)
                    gather(c2, b2)

                wait_gather(b)
                scatter(c, b)
            return 0

        lax.fori_loop(0, BPT // NB, group, 0)
        for b in range(NB):
            wait_scatter(b)

        @pl.when(sid < XTRA)
        def _():
            remap(BPT)
            gather(BPT, 0)
            wait_gather(0)
            scatter(BPT, 0)
            wait_scatter(0)

        plsc.subcore_barrier()

        @pl.when(sid < WB_TILES)
        def _():
            pltpu.sync_copy(acc.at[pl.ds(base, WB_ROWS)],
                            out_hbm.at[pl.ds(base, WB_ROWS),
                                       pl.ds(cid * DH, DH)])

    return agg_kernel(x2, eidx)


def _tc_mlp_block(scale_ref, x_ref, p_ref, w1_ref, b1_ref,
                  w2_ref, b2_ref, out_ref):
    t = scale_ref[0, 0] * x_ref[...] + p_ref[...]
    h = jnp.dot(t, w1_ref[...], preferred_element_type=jnp.float32) + b1_ref[...]
    h = jnp.maximum(h, 0.0)
    out_ref[...] = (
        jnp.dot(h, w2_ref[...], preferred_element_type=jnp.float32) + b2_ref[...]
    )


def _tc_mlp(x, agg, scale, W1, b1, W2, b2):
    rows = 2000
    grid = (N // rows,)
    return pl.pallas_call(
        _tc_mlp_block,
        grid=grid,
        in_specs=[
            pl.BlockSpec(memory_space=pltpu.SMEM),
            pl.BlockSpec((rows, D), lambda i: (i, 0)),
            pl.BlockSpec((rows, D), lambda i: (i, 0)),
            pl.BlockSpec((D, D), lambda i: (0, 0)),
            pl.BlockSpec((1, D), lambda i: (0, 0)),
            pl.BlockSpec((D, D), lambda i: (0, 0)),
            pl.BlockSpec((1, D), lambda i: (0, 0)),
        ],
        out_specs=pl.BlockSpec((rows, D), lambda i: (i, 0)),
        out_shape=jax.ShapeDtypeStruct((N, D), jnp.float32),
    )(scale, x, agg, W1, b1, W2, b2)


def kernel(x, edge_index, eps, W1, b1, W2, b2):
    ei = edge_index.astype(jnp.int32)
    eidx = ei.reshape(2, NBLK, CHUNK).transpose(1, 0, 2)
    agg = _sc_aggregate(x.reshape(2 * N, DH), eidx)
    scale = (1.0 + eps).astype(jnp.float32).reshape(1, 1)
    return _tc_mlp(x, agg, scale, W1.astype(jnp.float32),
                   b1.reshape(1, D), W2.astype(jnp.float32), b2.reshape(1, D))

# --- scband reference (transcript-rebuilt; emitter-appended) ---
"""Pipeline reference for scband-ginnet-34067680592554 (READ-ONLY COPY).

The authoritative reference and input builder live on the scoring server;
editing this copy changes nothing except your own understanding.
"""

import jax, jax.numpy as jnp
import numpy as np

N = 10000
E = 320000
D_IN = 128
D_OUT = 128

def setup_inputs(seed: int = 0) -> dict:
    key = jax.random.key(seed)
    k1, k2, k3, k4, k5, k6 = jax.random.split(key, 6)
    x = jax.random.normal(k1, (N, D_IN), dtype=jnp.float32)
    edge_index = jax.random.randint(k2, (2, E), 0, N, dtype=jnp.int64)
    # GIN MLP params: Linear(in,out) -> ReLU -> Linear(out,out)
    lim1 = 1.0 / np.sqrt(D_IN)
    W1 = jax.random.uniform(k3, (D_IN, D_OUT), dtype=jnp.float32, minval=-lim1, maxval=lim1)
    b1 = jax.random.uniform(k4, (D_OUT,), dtype=jnp.float32, minval=-lim1, maxval=lim1)
    lim2 = 1.0 / np.sqrt(D_OUT)
    W2 = jax.random.uniform(k5, (D_OUT, D_OUT), dtype=jnp.float32, minval=-lim2, maxval=lim2)
    b2 = jax.random.uniform(k6, (D_OUT,), dtype=jnp.float32, minval=-lim2, maxval=lim2)
    eps = jnp.asarray(0.2, dtype=jnp.float32)  # train_eps=True, init 0.2
    return {"x": x, "edge_index": edge_index, "eps": eps, "W1": W1, "b1": b1, "W2": W2, "b2": b2}

def reference(x, edge_index, eps, W1, b1, W2, b2):
    src = edge_index[0]
    dst = edge_index[1]
    # sum-aggregate neighbor features (scatter-add of gathered source features)
    msgs = jnp.take(x, src, axis=0)
    agg = jnp.zeros_like(x).at[dst].add(msgs)
    h = (1.0 + eps) * x + agg
    h = h @ W1 + b1
    h = jax.nn.relu(h)
    h = h @ W2 + b2
    return h

if __name__ == "__main__":
    import jax
    _d = setup_inputs()
    print(jax.jit(kernel)(*tuple(_d.values())))

</pallas_src>

<mosaic_0001>
#map = affine_map<(d0, d1) -> (0, 0)>
#map1 = affine_map<(d0, d1) -> (0, 0, 0)>
module attributes {stable_mosaic.version = 14 : i64} {
  func.func @agg_kernel(%arg0: i32, %arg1: i32, %arg2: memref<20000x64xf32, #tpu.memory_space<hbm>>, %arg3: memref<2500x2x128xi32, #tpu.memory_space<hbm>>, %arg4: memref<10000x128xf32, #tpu.memory_space<hbm>>, %arg5: memref<157x2x128xi32, #tpu.memory_space<vmem>>, %arg6: memref<4x128x64xf32, #tpu.memory_space<vmem>>, %arg7: memref<200x64xf32, #tpu.memory_space<vmem>>, %arg8: memref<10000x64xf32, #tpu.memory_space<vmem_shared>>, %arg9: memref<!tpu.dma_semaphore, #tpu.memory_space<semaphore_mem>>, %arg10: memref<!tpu.dma_semaphore, #tpu.memory_space<semaphore_mem>>, %arg11: memref<!tpu.dma_semaphore, #tpu.memory_space<semaphore_mem>>, %arg12: memref<!tpu.dma_semaphore, #tpu.memory_space<semaphore_mem>>, %arg13: memref<!tpu.dma_semaphore, #tpu.memory_space<semaphore_mem>>, %arg14: memref<!tpu.dma_semaphore, #tpu.memory_space<semaphore_mem>>, %arg15: memref<!tpu.dma_semaphore, #tpu.memory_space<semaphore_mem>>, %arg16: memref<!tpu.dma_semaphore, #tpu.memory_space<semaphore_mem>>) attributes {dimension_semantics = [#tpu.dimension_semantics<core_parallel>, #tpu.dimension_semantics<subcore_parallel>], iteration_bounds = array<i64: 2, 16>, scalar_prefetch = 0 : i64, scratch_operands = 12 : i64, tpu.core_type = #tpu.core_type<sc_vector_subcore>, window_params = [{transform_indices = #map}, {transform_indices = #map1}, {transform_indices = #map}]} {
    %mul3A = arith.constant 156 : i32
    %mul3A_0 = arith.muli %arg1, %mul3A : i32
    "tpu.region"() ({
      %run_scoped3A = tpu.sem_alloc : memref<!tpu.dma_semaphore, #tpu.memory_space<semaphore_mem>>
      %dma_start3A_139 = arith.constant 0 : i32
      %dma_start3A_140 = arith.constant 0 : i32
      %dma_start3A_141 = arith.constant 0 : i32
      %dma_start3A_142 = tpu.memref_slice %arg5[%dma_start3A_139, %dma_start3A_140, %dma_start3A_141] : memref<157x2x128xi32, #tpu.memory_space<vmem>> -> memref<156x2x128xi32, #tpu.memory_space<vmem>>
      %dma_start3A_143 = arith.constant 0 : i32
      %dma_start3A_144 = arith.constant 0 : i32
      %dma_start3A_145 = tpu.memref_slice %arg3[%mul3A_0, %dma_start3A_143, %dma_start3A_144] : memref<2500x2x128xi32, #tpu.memory_space<hbm>> -> memref<156x2x128xi32, #tpu.memory_space<hbm>>
      %dma_start3A_146 = arith.constant 0 : i32
      %dma_start3A_147 = arith.constant 0 : i32
      %dma_start3A_148 = arith.constant 0 : i32
      %dma_start3A_149 = tpu.memref_slice %arg5[%dma_start3A_146, %dma_start3A_147, %dma_start3A_148] : memref<157x2x128xi32, #tpu.memory_space<vmem>> -> memref<156x2x128xi32, #tpu.memory_space<vmem>>
      %dma_start3A_150 = arith.constant 0 : i32
      %dma_start3A_151 = arith.constant 0 : i32
      %dma_start3A_152 = tpu.memref_slice %arg3[%mul3A_0, %dma_start3A_150, %dma_start3A_151] : memref<2500x2x128xi32, #tpu.memory_space<hbm>> -> memref<156x2x128xi32, #tpu.memory_space<hbm>>
      tpu.enqueue_dma source(%dma_start3A_152 : memref<156x2x128xi32, #tpu.memory_space<hbm>>) target(%dma_start3A_149 : memref<156x2x128xi32, #tpu.memory_space<vmem>>) target_semaphore(%run_scoped3A : memref<!tpu.dma_semaphore, #tpu.memory_space<semaphore_mem>>)
      %dma_wait3A_153 = arith.constant 0 : i32
      %dma_wait3A_154 = arith.constant 0 : i32
      %dma_wait3A_155 = arith.constant 0 : i32
      %dma_wait3A_156 = tpu.memref_slice %arg5[%dma_wait3A_153, %dma_wait3A_154, %dma_wait3A_155] : memref<157x2x128xi32, #tpu.memory_space<vmem>> -> memref<156x2x128xi32, #tpu.memory_space<vmem>>
      %dma_wait3A_157 = arith.constant 0 : i32
      %dma_wait3A_158 = arith.constant 0 : i32
      %dma_wait3A_159 = tpu.memref_slice %arg3[%mul3A_0, %dma_wait3A_157, %dma_wait3A_158] : memref<2500x2x128xi32, #tpu.memory_space<hbm>> -> memref<156x2x128xi32, #tpu.memory_space<hbm>>
      %dma_wait3A_160 = arith.constant 0 : i32
      %dma_wait3A_161 = arith.constant 0 : i32
      %dma_wait3A_162 = arith.constant 0 : i32
      %dma_wait3A_163 = tpu.memref_slice %arg5[%dma_wait3A_160, %dma_wait3A_161, %dma_wait3A_162] : memref<157x2x128xi32, #tpu.memory_space<vmem>> -> memref<156x2x128xi32, #tpu.memory_space<vmem>>
      %dma_wait3A_164 = arith.constant 0 : i32
      %dma_wait3A_165 = arith.constant 0 : i32
      %dma_wait3A_166 = tpu.memref_slice %arg3[%mul3A_0, %dma_wait3A_164, %dma_wait3A_165] : memref<2500x2x128xi32, #tpu.memory_space<hbm>> -> memref<156x2x128xi32, #tpu.memory_space<hbm>>
      tpu.wait_dma2 semaphore(%run_scoped3A : memref<!tpu.dma_semaphore, #tpu.memory_space<semaphore_mem>>) src(%dma_wait3A_166 : memref<156x2x128xi32, #tpu.memory_space<hbm>>) dst(%dma_wait3A_163 : memref<156x2x128xi32, #tpu.memory_space<vmem>>)
      tpu.yield
    }) : () -> ()
    %lt3A = arith.constant 4 : i32
    %lt3A_1 = arith.cmpi slt, %arg1, %lt3A : i32
    %convert_element_type3A = arith.extui %lt3A_1 : i1 to i32
    %cond3A = arith.constant 0 : i32
    %cond3A_2 = arith.cmpi ne, %convert_element_type3A, %cond3A : i32
    scf.if %cond3A_2 {
      %add3A = arith.constant 2496 : i32
      %add3A_139 = arith.addi %add3A, %arg1 : i32
      "tpu.region"() ({
        %run_scoped3A = tpu.sem_alloc : memref<!tpu.dma_semaphore, #tpu.memory_space<semaphore_mem>>
        %dma_start3A_140 = arith.constant 156 : i32
        %dma_start3A_141 = arith.constant 0 : i32
        %dma_start3A_142 = arith.constant 0 : i32
        %dma_start3A_143 = tpu.memref_slice %arg5[%dma_start3A_140, %dma_start3A_141, %dma_start3A_142] : memref<157x2x128xi32, #tpu.memory_space<vmem>> -> memref<1x2x128xi32, #tpu.memory_space<vmem>>
        %dma_start3A_144 = arith.constant 0 : i32
        %dma_start3A_145 = arith.constant 0 : i32
        %dma_start3A_146 = tpu.memref_slice %arg3[%add3A_139, %dma_start3A_144, %dma_start3A_145] : memref<2500x2x128xi32, #tpu.memory_space<hbm>> -> memref<1x2x128xi32, #tpu.memory_space<hbm>>
        %dma_start3A_147 = arith.constant 156 : i32
        %dma_start3A_148 = arith.constant 0 : i32
        %dma_start3A_149 = arith.constant 0 : i32
        %dma_start3A_150 = tpu.memref_slice %arg5[%dma_start3A_147, %dma_start3A_148, %dma_start3A_149] : memref<157x2x128xi32, #tpu.memory_space<vmem>> -> memref<1x2x128xi32, #tpu.memory_space<vmem>>
        %dma_start3A_151 = arith.constant 0 : i32
        %dma_start3A_152 = arith.constant 0 : i32
        %dma_start3A_153 = tpu.memref_slice %arg3[%add3A_139, %dma_start3A_151, %dma_start3A_152] : memref<2500x2x128xi32, #tpu.memory_space<hbm>> -> memref<1x2x128xi32, #tpu.memory_space<hbm>>
        tpu.enqueue_dma source(%dma_start3A_153 : memref<1x2x128xi32, #tpu.memory_space<hbm>>) target(%dma_start3A_150 : memref<1x2x128xi32, #tpu.memory_space<vmem>>) target_semaphore(%run_scoped3A : memref<!tpu.dma_semaphore, #tpu.memory_space<semaphore_mem>>)
        %dma_wait3A_154 = arith.constant 156 : i32
        %dma_wait3A_155 = arith.constant 0 : i32
        %dma_wait3A_156 = arith.constant 0 : i32
        %dma_wait3A_157 = tpu.memref_slice %arg5[%dma_wait3A_154, %dma_wait3A_155, %dma_wait3A_156] : memref<157x2x128xi32, #tpu.memory_space<vmem>> -> memref<1x2x128xi32, #tpu.memory_space<vmem>>
        %dma_wait3A_158 = arith.constant 0 : i32
        %dma_wait3A_159 = arith.constant 0 : i32
        %dma_wait3A_160 = tpu.memref_slice %arg3[%add3A_139, %dma_wait3A_158, %dma_wait3A_159] : memref<2500x2x128xi32, #tpu.memory_space<hbm>> -> memref<1x2x128xi32, #tpu.memory_space<hbm>>
        %dma_wait3A_161 = arith.constant 156 : i32
        %dma_wait3A_162 = arith.constant 0 : i32
        %dma_wait3A_163 = arith.constant 0 : i32
        %dma_wait3A_164 = tpu.memref_slice %arg5[%dma_wait3A_161, %dma_wait3A_162, %dma_wait3A_163] : memref<157x2x128xi32, #tpu.memory_space<vmem>> -> memref<1x2x128xi32, #tpu.memory_space<vmem>>
        %dma_wait3A_165 = arith.constant 0 : i32
        %dma_wait3A_166 = arith.constant 0 : i32
        %dma_wait3A_167 = tpu.memref_slice %arg3[%add3A_139, %dma_wait3A_165, %dma_wait3A_166] : memref<2500x2x128xi32, #tpu.memory_space<hbm>> -> memref<1x2x128xi32, #tpu.memory_space<hbm>>
        tpu.wait_dma2 semaphore(%run_scoped3A : memref<!tpu.dma_semaphore, #tpu.memory_space<semaphore_mem>>) src(%dma_wait3A_167 : memref<1x2x128xi32, #tpu.memory_space<hbm>>) dst(%dma_wait3A_164 : memref<1x2x128xi32, #tpu.memory_space<vmem>>)
        tpu.yield
      }) : () -> ()
    } else {
    }
    %scan3A = arith.constant 0 : i32
    %scan3A_3 = arith.constant 0 : i32
    %scan3A_4 = arith.constant 8 : i32
    %scan3A_5 = arith.addi %scan3A_3, %scan3A_4 : i32
    %scan3A_6 = arith.constant 1 : i32
    %scan3A_7 = scf.for %scan3A_139 = %scan3A_3 to %scan3A_5 step %scan3A_6 iter_args(%scan3A_140 = %scan3A) -> (i32)  : i32 {
      %mul3A_141 = arith.constant 16 : i32
      %mul3A_142 = arith.muli %scan3A_139, %mul3A_141 : i32
      %get3A = arith.constant 0 : i32
      %get3A_143 = arith.constant 0 : i32
      %get3A_144 = arith.index_cast %get3A : i32 to index
      %get3A_145 = arith.index_cast %get3A_143 : i32 to index
      %get3A_146 = arith.index_cast %mul3A_142 : i32 to index
      %get3A_147 = tpu.vector_load %arg5[%get3A_144, %get3A_145, %get3A_146] {strides = array<i32>} : memref<157x2x128xi32, #tpu.memory_space<vmem>>, vector<1x1x16xi32>,
      %get3A_148 = vector.shape_cast %get3A_147 : vector<1x1x16xi32> to vector<16xi32>
      %mul3A_149 = arith.constant 2 : i32
      %mul3A_150 = vector.broadcast %mul3A_149 : i32 to vector<16xi32>
      %mul3A_151 = arith.muli %mul3A_150, %get3A_148 : vector<16xi32>
      %add3A = vector.broadcast %arg0 : i32 to vector<16xi32>
      %add3A_152 = arith.addi %mul3A_151, %add3A : vector<16xi32>
      %swap3A = arith.constant 0 : i32
      %swap3A_153 = arith.constant 0 : i32
      %swap3A_154 = arith.index_cast %swap3A : i32 to index
      %swap3A_155 = arith.index_cast %swap3A_153 : i32 to index
      %swap3A_156 = arith.index_cast %mul3A_142 : i32 to index
      %swap3A_157 = tpu.vector_load %arg5[%swap3A_154, %swap3A_155, %swap3A_156] {strides = array<i32>} : memref<157x2x128xi32, #tpu.memory_space<vmem>>, vector<1x1x16xi32>,
      %swap3A_158 = vector.shape_cast %swap3A_157 : vector<1x1x16xi32> to vector<16xi32>
      %swap3A_159 = vector.shape_cast %add3A_152 : vector<16xi32> to vector<1x1x16xi32>
      tpu.vector_store %arg5[%swap3A_154, %swap3A_155, %swap3A_156], %swap3A_159 {strides = array<i32>} : memref<157x2x128xi32, #tpu.memory_space<vmem>>, vector<1x1x16xi32>,
      %scan3A_160 = arith.constant 0 : i32
      scf.yield %scan3A_160 : i32
    }
    %scan3A_8 = arith.constant 8 : i32
    %scan3A_9 = arith.constant 0 : i32
    %scan3A_10 = arith.constant 0 : i32
    %scan3A_11 = arith.constant 8 : i32
    %scan3A_12 = arith.addi %scan3A_10, %scan3A_11 : i32
    %scan3A_13 = arith.constant 1 : i32
    %scan3A_14 = scf.for %scan3A_139 = %scan3A_10 to %scan3A_12 step %scan3A_13 iter_args(%scan3A_140 = %scan3A_9) -> (i32)  : i32 {
      %mul3A_141 = arith.constant 16 : i32
      %mul3A_142 = arith.muli %scan3A_139, %mul3A_141 : i32
      %get3A = arith.constant 1 : i32
      %get3A_143 = arith.constant 0 : i32
      %get3A_144 = arith.index_cast %get3A : i32 to index
      %get3A_145 = arith.index_cast %get3A_143 : i32 to index
      %get3A_146 = arith.index_cast %mul3A_142 : i32 to index
      %get3A_147 = tpu.vector_load %arg5[%get3A_144, %get3A_145, %get3A_146] {strides = array<i32>} : memref<157x2x128xi32, #tpu.memory_space<vmem>>, vector<1x1x16xi32>,
      %get3A_148 = vector.shape_cast %get3A_147 : vector<1x1x16xi32> to vector<16xi32>
      %mul3A_149 = arith.constant 2 : i32
      %mul3A_150 = vector.broadcast %mul3A_149 : i32 to vector<16xi32>
      %mul3A_151 = arith.muli %mul3A_150, %get3A_148 : vector<16xi32>
      %add3A = vector.broadcast %arg0 : i32 to vector<16xi32>
      %add3A_152 = arith.addi %mul3A_151, %add3A : vector<16xi32>
      %swap3A = arith.constant 1 : i32
      %swap3A_153 = arith.constant 0 : i32
      %swap3A_154 = arith.index_cast %swap3A : i32 to index
      %swap3A_155 = arith.index_cast %swap3A_153 : i32 to index
      %swap3A_156 = arith.index_cast %mul3A_142 : i32 to index
      %swap3A_157 = tpu.vector_load %arg5[%swap3A_154, %swap3A_155, %swap3A_156] {strides = array<i32>} : memref<157x2x128xi32, #tpu.memory_space<vmem>>, vector<1x1x16xi32>,
      %swap3A_158 = vector.shape_cast %swap3A_157 : vector<1x1x16xi32> to vector<16xi32>
      %swap3A_159 = vector.shape_cast %add3A_152 : vector<16xi32> to vector<1x1x16xi32>
      tpu.vector_store %arg5[%swap3A_154, %swap3A_155, %swap3A_156], %swap3A_159 {strides = array<i32>} : memref<157x2x128xi32, #tpu.memory_space<vmem>>, vector<1x1x16xi32>,
      %scan3A_160 = arith.constant 0 : i32
      scf.yield %scan3A_160 : i32
    }
    %scan3A_15 = arith.constant 8 : i32
    %scan3A_16 = arith.constant 0 : i32
    %scan3A_17 = arith.constant 0 : i32
    %scan3A_18 = arith.constant 8 : i32
    %scan3A_19 = arith.addi %scan3A_17, %scan3A_18 : i32
    %scan3A_20 = arith.constant 1 : i32
    %scan3A_21 = scf.for %scan3A_139 = %scan3A_17 to %scan3A_19 step %scan3A_20 iter_args(%scan3A_140 = %scan3A_16) -> (i32)  : i32 {
      %mul3A_141 = arith.constant 16 : i32
      %mul3A_142 = arith.muli %scan3A_139, %mul3A_141 : i32
      %get3A = arith.constant 2 : i32
      %get3A_143 = arith.constant 0 : i32
      %get3A_144 = arith.index_cast %get3A : i32 to index
      %get3A_145 = arith.index_cast %get3A_143 : i32 to index
      %get3A_146 = arith.index_cast %mul3A_142 : i32 to index
      %get3A_147 = tpu.vector_load %arg5[%get3A_144, %get3A_145, %get3A_146] {strides = array<i32>} : memref<157x2x128xi32, #tpu.memory_space<vmem>>, vector<1x1x16xi32>,
      %get3A_148 = vector.shape_cast %get3A_147 : vector<1x1x16xi32> to vector<16xi32>
      %mul3A_149 = arith.constant 2 : i32
      %mul3A_150 = vector.broadcast %mul3A_149 : i32 to vector<16xi32>
      %mul3A_151 = arith.muli %mul3A_150, %get3A_148 : vector<16xi32>
      %add3A = vector.broadcast %arg0 : i32 to vector<16xi32>
      %add3A_152 = arith.addi %mul3A_151, %add3A : vector<16xi32>
      %swap3A = arith.constant 2 : i32
      %swap3A_153 = arith.constant 0 : i32
      %swap3A_154 = arith.index_cast %swap3A : i32 to index
      %swap3A_155 = arith.index_cast %swap3A_153 : i32 to index
      %swap3A_156 = arith.index_cast %mul3A_142 : i32 to index
      %swap3A_157 = tpu.vector_load %arg5[%swap3A_154, %swap3A_155, %swap3A_156] {strides = array<i32>} : memref<157x2x128xi32, #tpu.memory_space<vmem>>, vector<1x1x16xi32>,
      %swap3A_158 = vector.shape_cast %swap3A_157 : vector<1x1x16xi32> to vector<16xi32>
      %swap3A_159 = vector.shape_cast %add3A_152 : vector<16xi32> to vector<1x1x16xi32>
      tpu.vector_store %arg5[%swap3A_154, %swap3A_155, %swap3A_156], %swap3A_159 {strides = array<i32>} : memref<157x2x128xi32, #tpu.memory_space<vmem>>, vector<1x1x16xi32>,
      %scan3A_160 = arith.constant 0 : i32
      scf.yield %scan3A_160 : i32
    }
    %scan3A_22 = arith.constant 8 : i32
    %dma_start3A = arith.constant 0 : i32
    %dma_start3A_23 = arith.constant 0 : i32
    %dma_start3A_24 = arith.constant 0 : i32
    %dma_start3A_25 = arith.constant 0 : i32
    %dma_start3A_26 = arith.constant 0 : i32
    %dma_start3A_27 = tpu.memref_slice %arg6[%dma_start3A_24, %dma_start3A_25, %dma_start3A_26] : memref<4x128x64xf32, #tpu.memory_space<vmem>> -> memref<1x128x64xf32, #tpu.memory_space<vmem>>
    %dma_start3A_28 = tpu.memref_squeeze %dma_start3A_27 : memref<1x128x64xf32, #tpu.memory_space<vmem>> -> memref<128x64xf32, #tpu.memory_space<vmem>>
    %dma_start3A_29 = arith.constant 0 : i32
    %dma_start3A_30 = tpu.memref_slice %arg5[%dma_start3A, %dma_start3A_23, %dma_start3A_29] : memref<157x2x128xi32, #tpu.memory_space<vmem>> -> memref<1x1x128xi32, #tpu.memory_space<vmem>>
    %dma_start3A_31 = tpu.memref_squeeze %dma_start3A_30 : memref<1x1x128xi32, #tpu.memory_space<vmem>> -> memref<128xi32, #tpu.memory_space<vmem>>
    %dma_start3A_32 = arith.constant 0 : i32
    %dma_start3A_33 = arith.constant 0 : i32
    %dma_start3A_34 = tpu.memref_slice %arg2[%dma_start3A_32, %dma_start3A_33] : memref<20000x64xf32, #tpu.memory_space<hbm>> -> memref<20000x64xf32, #tpu.memory_space<hbm>>
    tpu.enqueue_indirect_dma source(%dma_start3A_34 : memref<20000x64xf32, #tpu.memory_space<hbm>>) target(%dma_start3A_28 : memref<128x64xf32, #tpu.memory_space<vmem>>) offsets(%dma_start3A_31 : memref<128xi32, #tpu.memory_space<vmem>>) semaphore(%arg9 : memref<!tpu.dma_semaphore, #tpu.memory_space<semaphore_mem>>)
    %dma_start3A_35 = arith.constant 1 : i32
    %dma_start3A_36 = arith.constant 0 : i32
    %dma_start3A_37 = arith.constant 1 : i32
    %dma_start3A_38 = arith.constant 0 : i32
    %dma_start3A_39 = arith.constant 0 : i32
    %dma_start3A_40 = tpu.memref_slice %arg6[%dma_start3A_37, %dma_start3A_38, %dma_start3A_39] : memref<4x128x64xf32, #tpu.memory_space<vmem>> -> memref<1x128x64xf32, #tpu.memory_space<vmem>>
    %dma_start3A_41 = tpu.memref_squeeze %dma_start3A_40 : memref<1x128x64xf32, #tpu.memory_space<vmem>> -> memref<128x64xf32, #tpu.memory_space<vmem>>
    %dma_start3A_42 = arith.constant 0 : i32
    %dma_start3A_43 = tpu.memref_slice %arg5[%dma_start3A_35, %dma_start3A_36, %dma_start3A_42] : memref<157x2x128xi32, #tpu.memory_space<vmem>> -> memref<1x1x128xi32, #tpu.memory_space<vmem>>
    %dma_start3A_44 = tpu.memref_squeeze %dma_start3A_43 : memref<1x1x128xi32, #tpu.memory_space<vmem>> -> memref<128xi32, #tpu.memory_space<vmem>>
    %dma_start3A_45 = arith.constant 0 : i32
    %dma_start3A_46 = arith.constant 0 : i32
    %dma_start3A_47 = tpu.memref_slice %arg2[%dma_start3A_45, %dma_start3A_46] : memref<20000x64xf32, #tpu.memory_space<hbm>> -> memref<20000x64xf32, #tpu.memory_space<hbm>>
    tpu.enqueue_indirect_dma source(%dma_start3A_47 : memref<20000x64xf32, #tpu.memory_space<hbm>>) target(%dma_start3A_41 : memref<128x64xf32, #tpu.memory_space<vmem>>) offsets(%dma_start3A_44 : memref<128xi32, #tpu.memory_space<vmem>>) semaphore(%arg10 : memref<!tpu.dma_semaphore, #tpu.memory_space<semaphore_mem>>)
    %scan3A_48 = arith.constant 0 : i32
    %scan3A_49 = arith.constant 0 : i32
    %scan3A_50 = arith.constant 200 : i32
    %scan3A_51 = arith.addi %scan3A_49, %scan3A_50 : i32
    %scan3A_52 = arith.constant 1 : i32
    %scan3A_53 = scf.for %scan3A_139 = %scan3A_49 to %scan3A_51 step %scan3A_52 iter_args(%scan3A_140 = %scan3A_48) -> (i32)  : i32 {
      %broadcast_in_dim3A = arith.constant 0.000000e+00 : f32
      %broadcast_in_dim3A_141 = vector.broadcast %broadcast_in_dim3A : f32 to vector<16xf32>
      %swap3A = arith.index_cast %scan3A_139 : i32 to index
      %swap3A_142 = arith.constant 0 : index
      %swap3A_143 = tpu.vector_load %arg7[%swap3A, %swap3A_142] {strides = array<i32>} : memref<200x64xf32, #tpu.memory_space<vmem>>, vector<1x16xf32>,
      %swap3A_144 = vector.shape_cast %swap3A_143 : vector<1x16xf32> to vector<16xf32>
      %swap3A_145 = vector.shape_cast %broadcast_in_dim3A_141 : vector<16xf32> to vector<1x16xf32>
      tpu.vector_store %arg7[%swap3A, %swap3A_142], %swap3A_145 {strides = array<i32>} : memref<200x64xf32, #tpu.memory_space<vmem>>, vector<1x16xf32>,
      %broadcast_in_dim3A_146 = arith.constant 0.000000e+00 : f32
      %broadcast_in_dim3A_147 = vector.broadcast %broadcast_in_dim3A_146 : f32 to vector<16xf32>
      %swap3A_148 = arith.index_cast %scan3A_139 : i32 to index
      %swap3A_149 = arith.constant 16 : index
      %swap3A_150 = tpu.vector_load %arg7[%swap3A_148, %swap3A_149] {strides = array<i32>} : memref<200x64xf32, #tpu.memory_space<vmem>>, vector<1x16xf32>,
      %swap3A_151 = vector.shape_cast %swap3A_150 : vector<1x16xf32> to vector<16xf32>
      %swap3A_152 = vector.shape_cast %broadcast_in_dim3A_147 : vector<16xf32> to vector<1x16xf32>
      tpu.vector_store %arg7[%swap3A_148, %swap3A_149], %swap3A_152 {strides = array<i32>} : memref<200x64xf32, #tpu.memory_space<vmem>>, vector<1x16xf32>,
      %broadcast_in_dim3A_153 = arith.constant 0.000000e+00 : f32
      %broadcast_in_dim3A_154 = vector.broadcast %broadcast_in_dim3A_153 : f32 to vector<16xf32>
      %swap3A_155 = arith.index_cast %scan3A_139 : i32 to index
      %swap3A_156 = arith.constant 32 : index
      %swap3A_157 = tpu.vector_load %arg7[%swap3A_155, %swap3A_156] {strides = array<i32>} : memref<200x64xf32, #tpu.memory_space<vmem>>, vector<1x16xf32>,
      %swap3A_158 = vector.shape_cast %swap3A_157 : vector<1x16xf32> to vector<16xf32>
      %swap3A_159 = vector.shape_cast %broadcast_in_dim3A_154 : vector<16xf32> to vector<1x16xf32>
      tpu.vector_store %arg7[%swap3A_155, %swap3A_156], %swap3A_159 {strides = array<i32>} : memref<200x64xf32, #tpu.memory_space<vmem>>, vector<1x16xf32>,
      %broadcast_in_dim3A_160 = arith.constant 0.000000e+00 : f32
      %broadcast_in_dim3A_161 = vector.broadcast %broadcast_in_dim3A_160 : f32 to vector<16xf32>
      %swap3A_162 = arith.index_cast %scan3A_139 : i32 to index
      %swap3A_163 = arith.constant 48 : index
      %swap3A_164 = tpu.vector_load %arg7[%swap3A_162, %swap3A_163] {strides = array<i32>} : memref<200x64xf32, #tpu.memory_space<vmem>>, vector<1x16xf32>,
      %swap3A_165 = vector.shape_cast %swap3A_164 : vector<1x16xf32> to vector<16xf32>
      %swap3A_166 = vector.shape_cast %broadcast_in_dim3A_161 : vector<16xf32> to vector<1x16xf32>
      tpu.vector_store %arg7[%swap3A_162, %swap3A_163], %swap3A_166 {strides = array<i32>} : memref<200x64xf32, #tpu.memory_space<vmem>>, vector<1x16xf32>,
      %scan3A_167 = arith.constant 0 : i32
      scf.yield %scan3A_167 : i32
    }
    %scan3A_54 = arith.constant 200 : i32
    %mul3A_55 = arith.constant 1000 : i32
    %mul3A_56 = arith.muli %arg1, %mul3A_55 : i32
    %lt3A_57 = arith.constant 10 : i32
    %lt3A_58 = arith.cmpi slt, %arg1, %lt3A_57 : i32
    %convert_element_type3A_59 = arith.extui %lt3A_58 : i1 to i32
    %cond3A_60 = arith.constant 0 : i32
    %cond3A_61 = arith.cmpi ne, %convert_element_type3A_59, %cond3A_60 : i32
    scf.if %cond3A_61 {
      %add3A = arith.constant 0 : i32
      %add3A_139 = arith.addi %mul3A_56, %add3A : i32
      "tpu.region"() ({
        %run_scoped3A = tpu.sem_alloc : memref<!tpu.dma_semaphore, #tpu.memory_space<semaphore_mem>>
        %dma_start3A_148 = arith.constant 0 : i32
        %dma_start3A_149 = tpu.memref_slice %arg8[%add3A_139, %dma_start3A_148] : memref<10000x64xf32, #tpu.memory_space<vmem_shared>> -> memref<200x64xf32, #tpu.memory_space<vmem_shared>>
        %dma_start3A_150 = arith.constant 0 : i32
        %dma_start3A_151 = tpu.memref_slice %arg8[%add3A_139, %dma_start3A_150] : memref<10000x64xf32, #tpu.memory_space<vmem_shared>> -> memref<200x64xf32, #tpu.memory_space<vmem_shared>>
        tpu.enqueue_dma source(%arg7 : memref<200x64xf32, #tpu.memory_space<vmem>>) target(%dma_start3A_151 : memref<200x64xf32, #tpu.memory_space<vmem_shared>>) target_semaphore(%run_scoped3A : memref<!tpu.dma_semaphore, #tpu.memory_space<semaphore_mem>>)
        %dma_wait3A_152 = arith.constant 0 : i32
        %dma_wait3A_153 = tpu.memref_slice %arg8[%add3A_139, %dma_wait3A_152] : memref<10000x64xf32, #tpu.memory_space<vmem_shared>> -> memref<200x64xf32, #tpu.memory_space<vmem_shared>>
        %dma_wait3A_154 = arith.constant 0 : i32
        %dma_wait3A_155 = tpu.memref_slice %arg8[%add3A_139, %dma_wait3A_154] : memref<10000x64xf32, #tpu.memory_space<vmem_shared>> -> memref<200x64xf32, #tpu.memory_space<vmem_shared>>
        tpu.wait_dma2 semaphore(%run_scoped3A : memref<!tpu.dma_semaphore, #tpu.memory_space<semaphore_mem>>) src(%arg7 : memref<200x64xf32, #tpu.memory_space<vmem>>) dst(%dma_wait3A_155 : memref<200x64xf32, #tpu.memory_space<vmem_shared>>)
        tpu.yield
      }) : () -> ()
      %add3A_140 = arith.constant 200 : i32
      %add3A_141 = arith.addi %mul3A_56, %add3A_140 : i32
      "tpu.region"() ({
        %run_scoped3A = tpu.sem_alloc : memref<!tpu.dma_semaphore, #tpu.memory_space<semaphore_mem>>
        %dma_start3A_148 = arith.constant 0 : i32
        %dma_start3A_149 = tpu.memref_slice %arg8[%add3A_141, %dma_start3A_148] : memref<10000x64xf32, #tpu.memory_space<vmem_shared>> -> memref<200x64xf32, #tpu.memory_space<vmem_shared>>
        %dma_start3A_150 = arith.constant 0 : i32
        %dma_start3A_151 = tpu.memref_slice %arg8[%add3A_141, %dma_start3A_150] : memref<10000x64xf32, #tpu.memory_space<vmem_shared>> -> memref<200x64xf32, #tpu.memory_space<vmem_shared>>
        tpu.enqueue_dma source(%arg7 : memref<200x64xf32, #tpu.memory_space<vmem>>) target(%dma_start3A_151 : memref<200x64xf32, #tpu.memory_space<vmem_shared>>) target_semaphore(%run_scoped3A : memref<!tpu.dma_semaphore, #tpu.memory_space<semaphore_mem>>)
        %dma_wait3A_152 = arith.constant 0 : i32
        %dma_wait3A_153 = tpu.memref_slice %arg8[%add3A_141, %dma_wait3A_152] : memref<10000x64xf32, #tpu.memory_space<vmem_shared>> -> memref<200x64xf32, #tpu.memory_space<vmem_shared>>
        %dma_wait3A_154 = arith.constant 0 : i32
        %dma_wait3A_155 = tpu.memref_slice %arg8[%add3A_141, %dma_wait3A_154] : memref<10000x64xf32, #tpu.memory_space<vmem_shared>> -> memref<200x64xf32, #tpu.memory_space<vmem_shared>>
        tpu.wait_dma2 semaphore(%run_scoped3A : memref<!tpu.dma_semaphore, #tpu.memory_space<semaphore_mem>>) src(%arg7 : memref<200x64xf32, #tpu.memory_space<vmem>>) dst(%dma_wait3A_155 : memref<200x64xf32, #tpu.memory_space<vmem_shared>>)
        tpu.yield
      }) : () -> ()
      %add3A_142 = arith.constant 400 : i32
      %add3A_143 = arith.addi %mul3A_56, %add3A_142 : i32
      "tpu.region"() ({
        %run_scoped3A = tpu.sem_alloc : memref<!tpu.dma_semaphore, #tpu.memory_space<semaphore_mem>>
        %dma_start3A_148 = arith.constant 0 : i32
        %dma_start3A_149 = tpu.memref_slice %arg8[%add3A_143, %dma_start3A_148] : memref<10000x64xf32, #tpu.memory_space<vmem_shared>> -> memref<200x64xf32, #tpu.memory_space<vmem_shared>>
        %dma_start3A_150 = arith.constant 0 : i32
        %dma_start3A_151 = tpu.memref_slice %arg8[%add3A_143, %dma_start3A_150] : memref<10000x64xf32, #tpu.memory_space<vmem_shared>> -> memref<200x64xf32, #tpu.memory_space<vmem_shared>>
        tpu.enqueue_dma source(%arg7 : memref<200x64xf32, #tpu.memory_space<vmem>>) target(%dma_start3A_151 : memref<200x64xf32, #tpu.memory_space<vmem_shared>>) target_semaphore(%run_scoped3A : memref<!tpu.dma_semaphore, #tpu.memory_space<semaphore_mem>>)
        %dma_wait3A_152 = arith.constant 0 : i32
        %dma_wait3A_153 = tpu.memref_slice %arg8[%add3A_143, %dma_wait3A_152] : memref<10000x64xf32, #tpu.memory_space<vmem_shared>> -> memref<200x64xf32, #tpu.memory_space<vmem_shared>>
        %dma_wait3A_154 = arith.constant 0 : i32
        %dma_wait3A_155 = tpu.memref_slice %arg8[%add3A_143, %dma_wait3A_154] : memref<10000x64xf32, #tpu.memory_space<vmem_shared>> -> memref<200x64xf32, #tpu.memory_space<vmem_shared>>
        tpu.wait_dma2 semaphore(%run_scoped3A : memref<!tpu.dma_semaphore, #tpu.memory_space<semaphore_mem>>) src(%arg7 : memref<200x64xf32, #tpu.memory_space<vmem>>) dst(%dma_wait3A_155 : memref<200x64xf32, #tpu.memory_space<vmem_shared>>)
        tpu.yield
      }) : () -> ()
      %add3A_144 = arith.constant 600 : i32
      %add3A_145 = arith.addi %mul3A_56, %add3A_144 : i32
      "tpu.region"() ({
        %run_scoped3A = tpu.sem_alloc : memref<!tpu.dma_semaphore, #tpu.memory_space<semaphore_mem>>
        %dma_start3A_148 = arith.constant 0 : i32
        %dma_start3A_149 = tpu.memref_slice %arg8[%add3A_145, %dma_start3A_148] : memref<10000x64xf32, #tpu.memory_space<vmem_shared>> -> memref<200x64xf32, #tpu.memory_space<vmem_shared>>
        %dma_start3A_150 = arith.constant 0 : i32
        %dma_start3A_151 = tpu.memref_slice %arg8[%add3A_145, %dma_start3A_150] : memref<10000x64xf32, #tpu.memory_space<vmem_shared>> -> memref<200x64xf32, #tpu.memory_space<vmem_shared>>
        tpu.enqueue_dma source(%arg7 : memref<200x64xf32, #tpu.memory_space<vmem>>) target(%dma_start3A_151 : memref<200x64xf32, #tpu.memory_space<vmem_shared>>) target_semaphore(%run_scoped3A : memref<!tpu.dma_semaphore, #tpu.memory_space<semaphore_mem>>)
        %dma_wait3A_152 = arith.constant 0 : i32
        %dma_wait3A_153 = tpu.memref_slice %arg8[%add3A_145, %dma_wait3A_152] : memref<10000x64xf32, #tpu.memory_space<vmem_shared>> -> memref<200x64xf32, #tpu.memory_space<vmem_shared>>
        %dma_wait3A_154 = arith.constant 0 : i32
        %dma_wait3A_155 = tpu.memref_slice %arg8[%add3A_145, %dma_wait3A_154] : memref<10000x64xf32, #tpu.memory_space<vmem_shared>> -> memref<200x64xf32, #tpu.memory_space<vmem_shared>>
        tpu.wait_dma2 semaphore(%run_scoped3A : memref<!tpu.dma_semaphore, #tpu.memory_space<semaphore_mem>>) src(%arg7 : memref<200x64xf32, #tpu.memory_space<vmem>>) dst(%dma_wait3A_155 : memref<200x64xf32, #tpu.memory_space<vmem_shared>>)
        tpu.yield
      }) : () -> ()
      %add3A_146 = arith.constant 800 : i32
      %add3A_147 = arith.addi %mul3A_56, %add3A_146 : i32
      "tpu.region"() ({
        %run_scoped3A = tpu.sem_alloc : memref<!tpu.dma_semaphore, #tpu.memory_space<semaphore_mem>>
        %dma_start3A_148 = arith.constant 0 : i32
        %dma_start3A_149 = tpu.memref_slice %arg8[%add3A_147, %dma_start3A_148] : memref<10000x64xf32, #tpu.memory_space<vmem_shared>> -> memref<200x64xf32, #tpu.memory_space<vmem_shared>>
        %dma_start3A_150 = arith.constant 0 : i32
        %dma_start3A_151 = tpu.memref_slice %arg8[%add3A_147, %dma_start3A_150] : memref<10000x64xf32, #tpu.memory_space<vmem_shared>> -> memref<200x64xf32, #tpu.memory_space<vmem_shared>>
        tpu.enqueue_dma source(%arg7 : memref<200x64xf32, #tpu.memory_space<vmem>>) target(%dma_start3A_151 : memref<200x64xf32, #tpu.memory_space<vmem_shared>>) target_semaphore(%run_scoped3A : memref<!tpu.dma_semaphore, #tpu.memory_space<semaphore_mem>>)
        %dma_wait3A_152 = arith.constant 0 : i32
        %dma_wait3A_153 = tpu.memref_slice %arg8[%add3A_147, %dma_wait3A_152] : memref<10000x64xf32, #tpu.memory_space<vmem_shared>> -> memref<200x64xf32, #tpu.memory_space<vmem_shared>>
        %dma_wait3A_154 = arith.constant 0 : i32
        %dma_wait3A_155 = tpu.memref_slice %arg8[%add3A_147, %dma_wait3A_154] : memref<10000x64xf32, #tpu.memory_space<vmem_shared>> -> memref<200x64xf32, #tpu.memory_space<vmem_shared>>
        tpu.wait_dma2 semaphore(%run_scoped3A : memref<!tpu.dma_semaphore, #tpu.memory_space<semaphore_mem>>) src(%arg7 : memref<200x64xf32, #tpu.memory_space<vmem>>) dst(%dma_wait3A_155 : memref<200x64xf32, #tpu.memory_space<vmem_shared>>)
        tpu.yield
      }) : () -> ()
    } else {
    }
    %barrier3A = arith.constant 0 : index
    tpu.barrier barrier_id(%barrier3A)
    %scan3A_62 = arith.constant 0 : i32
    %scan3A_63 = arith.constant 0 : i32
    %scan3A_64 = arith.constant 39 : i32
    %scan3A_65 = arith.addi %scan3A_63, %scan3A_64 : i32
    %scan3A_66 = arith.constant 1 : i32
    %scan3A_67 = scf.for %scan3A_139 = %scan3A_63 to %scan3A_65 step %scan3A_66 iter_args(%scan3A_140 = %scan3A_62) -> (i32)  : i32 {
      %mul3A_141 = arith.constant 4 : i32
      %mul3A_142 = arith.muli %scan3A_139, %mul3A_141 : i32
      %add3A = arith.constant 0 : i32
      %add3A_143 = arith.addi %mul3A_142, %add3A : i32
      %add3A_144 = arith.constant 2 : i32
      %add3A_145 = arith.addi %add3A_143, %add3A_144 : i32
      %add3A_146 = arith.constant 2 : i32
      %add3A_147 = arith.addi %add3A_143, %add3A_146 : i32
      %add3A_148 = arith.constant 1 : i32
      %add3A_149 = arith.addi %add3A_147, %add3A_148 : i32
      %lt3A_150 = arith.constant 156 : i32
      %lt3A_151 = arith.cmpi slt, %add3A_149, %lt3A_150 : i32
      %convert_element_type3A_152 = arith.extui %lt3A_151 : i1 to i32
      %cond3A_153 = arith.constant 0 : i32
      %cond3A_154 = arith.cmpi ne, %convert_element_type3A_152, %cond3A_153 : i32
      scf.if %cond3A_154 {
        %add3A_329 = arith.constant 2 : i32
        %add3A_330 = arith.addi %add3A_143, %add3A_329 : i32
        %add3A_331 = arith.constant 1 : i32
        %add3A_332 = arith.addi %add3A_330, %add3A_331 : i32
        %scan3A_333 = arith.constant 0 : i32
        %scan3A_334 = arith.constant 0 : i32
        %scan3A_335 = arith.constant 8 : i32
        %scan3A_336 = arith.addi %scan3A_334, %scan3A_335 : i32
        %scan3A_337 = arith.constant 1 : i32
        %scan3A_338 = scf.for %scan3A_340 = %scan3A_334 to %scan3A_336 step %scan3A_337 iter_args(%scan3A_341 = %scan3A_333) -> (i32)  : i32 {
          %mul3A_342 = arith.constant 16 : i32
          %mul3A_343 = arith.muli %scan3A_340, %mul3A_342 : i32
          %get3A = arith.constant 0 : i32
          %get3A_344 = arith.index_cast %add3A_332 : i32 to index
          %get3A_345 = arith.index_cast %get3A : i32 to index
          %get3A_346 = arith.index_cast %mul3A_343 : i32 to index
          %get3A_347 = tpu.vector_load %arg5[%get3A_344, %get3A_345, %get3A_346] {strides = array<i32>} : memref<157x2x128xi32, #tpu.memory_space<vmem>>, vector<1x1x16xi32>,
          %get3A_348 = vector.shape_cast %get3A_347 : vector<1x1x16xi32> to vector<16xi32>
          %mul3A_349 = arith.constant 2 : i32
          %mul3A_350 = vector.broadcast %mul3A_349 : i32 to vector<16xi32>
          %mul3A_351 = arith.muli %mul3A_350, %get3A_348 : vector<16xi32>
          %add3A_352 = vector.broadcast %arg0 : i32 to vector<16xi32>
          %add3A_353 = arith.addi %mul3A_351, %add3A_352 : vector<16xi32>
          %swap3A = arith.constant 0 : i32
          %swap3A_354 = arith.index_cast %add3A_332 : i32 to index
          %swap3A_355 = arith.index_cast %swap3A : i32 to index
          %swap3A_356 = arith.index_cast %mul3A_343 : i32 to index
          %swap3A_357 = tpu.vector_load %arg5[%swap3A_354, %swap3A_355, %swap3A_356] {strides = array<i32>} : memref<157x2x128xi32, #tpu.memory_space<vmem>>, vector<1x1x16xi32>,
          %swap3A_358 = vector.shape_cast %swap3A_357 : vector<1x1x16xi32> to vector<16xi32>
          %swap3A_359 = vector.shape_cast %add3A_353 : vector<16xi32> to vector<1x1x16xi32>
          tpu.vector_store %arg5[%swap3A_354, %swap3A_355, %swap3A_356], %swap3A_359 {strides = array<i32>} : memref<157x2x128xi32, #tpu.memory_space<vmem>>, vector<1x1x16xi32>,
          %scan3A_360 = arith.constant 0 : i32
          scf.yield %scan3A_360 : i32
        }
        %scan3A_339 = arith.constant 8 : i32
      } else {
      }
      %lt3A_155 = arith.constant 156 : i32
      %lt3A_156 = arith.cmpi slt, %add3A_145, %lt3A_155 : i32
      %convert_element_type3A_157 = arith.extui %lt3A_156 : i1 to i32
      %cond3A_158 = arith.constant 0 : i32
      %cond3A_159 = arith.cmpi ne, %convert_element_type3A_157, %cond3A_158 : i32
      scf.if %cond3A_159 {
        %ge3A = arith.constant 2 : i32
        %ge3A_329 = arith.cmpi sge, %add3A_143, %ge3A : i32
        %convert_element_type3A_330 = arith.extui %ge3A_329 : i1 to i32
        %cond3A_331 = arith.constant 0 : i32
        %cond3A_332 = arith.cmpi ne, %convert_element_type3A_330, %cond3A_331 : i32
        scf.if %cond3A_332 {
          %dma_wait3A_345 = arith.constant 2 : i32
          %dma_wait3A_346 = arith.constant 0 : i32
          %dma_wait3A_347 = arith.constant 0 : i32
          %dma_wait3A_348 = tpu.memref_slice %arg6[%dma_wait3A_345, %dma_wait3A_346, %dma_wait3A_347] : memref<4x128x64xf32, #tpu.memory_space<vmem>> -> memref<1x128x64xf32, #tpu.memory_space<vmem>>
          %dma_wait3A_349 = tpu.memref_squeeze %dma_wait3A_348 : memref<1x128x64xf32, #tpu.memory_space<vmem>> -> memref<128x64xf32, #tpu.memory_space<vmem>>
          %dma_wait3A_350 = arith.constant 0 : i32
          %dma_wait3A_351 = arith.constant 0 : i32
          %dma_wait3A_352 = tpu.memref_slice %arg2[%dma_wait3A_350, %dma_wait3A_351] : memref<20000x64xf32, #tpu.memory_space<hbm>> -> memref<128x64xf32, #tpu.memory_space<hbm>>
          %dma_wait3A_353 = arith.constant 0 : i32
          %dma_wait3A_354 = arith.constant 0 : i32
          %dma_wait3A_355 = tpu.memref_slice %arg6[%dma_wait3A_345, %dma_wait3A_353, %dma_wait3A_354] : memref<4x128x64xf32, #tpu.memory_space<vmem>> -> memref<1x128x64xf32, #tpu.memory_space<vmem>>
          %dma_wait3A_356 = tpu.memref_squeeze %dma_wait3A_355 : memref<1x128x64xf32, #tpu.memory_space<vmem>> -> memref<128x64xf32, #tpu.memory_space<vmem>>
          %dma_wait3A_357 = arith.constant 0 : i32
          %dma_wait3A_358 = arith.constant 0 : i32
          %dma_wait3A_359 = tpu.memref_slice %arg2[%dma_wait3A_357, %dma_wait3A_358] : memref<20000x64xf32, #tpu.memory_space<hbm>> -> memref<128x64xf32, #tpu.memory_space<hbm>>
          tpu.wait_dma2 semaphore(%arg15 : memref<!tpu.dma_semaphore, #tpu.memory_space<semaphore_mem>>) src(%dma_wait3A_359 : memref<128x64xf32, #tpu.memory_space<hbm>>) dst(%dma_wait3A_356 : memref<128x64xf32, #tpu.memory_space<vmem>>)
        } else {
        }
        %dma_start3A_333 = arith.constant 0 : i32
        %dma_start3A_334 = arith.constant 2 : i32
        %dma_start3A_335 = arith.constant 0 : i32
        %dma_start3A_336 = arith.constant 0 : i32
        %dma_start3A_337 = tpu.memref_slice %arg6[%dma_start3A_334, %dma_start3A_335, %dma_start3A_336] : memref<4x128x64xf32, #tpu.memory_space<vmem>> -> memref<1x128x64xf32, #tpu.memory_space<vmem>>
        %dma_start3A_338 = tpu.memref_squeeze %dma_start3A_337 : memref<1x128x64xf32, #tpu.memory_space<vmem>> -> memref<128x64xf32, #tpu.memory_space<vmem>>
        %dma_start3A_339 = arith.constant 0 : i32
        %dma_start3A_340 = tpu.memref_slice %arg5[%add3A_145, %dma_start3A_333, %dma_start3A_339] : memref<157x2x128xi32, #tpu.memory_space<vmem>> -> memref<1x1x128xi32, #tpu.memory_space<vmem>>
        %dma_start3A_341 = tpu.memref_squeeze %dma_start3A_340 : memref<1x1x128xi32, #tpu.memory_space<vmem>> -> memref<128xi32, #tpu.memory_space<vmem>>
        %dma_start3A_342 = arith.constant 0 : i32
        %dma_start3A_343 = arith.constant 0 : i32
        %dma_start3A_344 = tpu.memref_slice %arg2[%dma_start3A_342, %dma_start3A_343] : memref<20000x64xf32, #tpu.memory_space<hbm>> -> memref<20000x64xf32, #tpu.memory_space<hbm>>
        tpu.enqueue_indirect_dma source(%dma_start3A_344 : memref<20000x64xf32, #tpu.memory_space<hbm>>) target(%dma_start3A_338 : memref<128x64xf32, #tpu.memory_space<vmem>>) offsets(%dma_start3A_341 : memref<128xi32, #tpu.memory_space<vmem>>) semaphore(%arg11 : memref<!tpu.dma_semaphore, #tpu.memory_space<semaphore_mem>>)
      } else {
      }
      %dma_wait3A_160 = arith.constant 0 : i32
      %dma_wait3A_161 = arith.constant 0 : i32
      %dma_wait3A_162 = arith.constant 0 : i32
      %dma_wait3A_163 = tpu.memref_slice %arg6[%dma_wait3A_160, %dma_wait3A_161, %dma_wait3A_162] : memref<4x128x64xf32, #tpu.memory_space<vmem>> -> memref<1x128x64xf32, #tpu.memory_space<vmem>>
      %dma_wait3A_164 = tpu.memref_squeeze %dma_wait3A_163 : memref<1x128x64xf32, #tpu.memory_space<vmem>> -> memref<128x64xf32, #tpu.memory_space<vmem>>
      %dma_wait3A_165 = arith.constant 0 : i32
      %dma_wait3A_166 = arith.constant 0 : i32
      %dma_wait3A_167 = tpu.memref_slice %arg2[%dma_wait3A_165, %dma_wait3A_166] : memref<20000x64xf32, #tpu.memory_space<hbm>> -> memref<128x64xf32, #tpu.memory_space<hbm>>
      %dma_wait3A_168 = arith.constant 0 : i32
      %dma_wait3A_169 = arith.constant 0 : i32
      %dma_wait3A_170 = tpu.memref_slice %arg6[%dma_wait3A_160, %dma_wait3A_168, %dma_wait3A_169] : memref<4x128x64xf32, #tpu.memory_space<vmem>> -> memref<1x128x64xf32, #tpu.memory_space<vmem>>
      %dma_wait3A_171 = tpu.memref_squeeze %dma_wait3A_170 : memref<1x128x64xf32, #tpu.memory_space<vmem>> -> memref<128x64xf32, #tpu.memory_space<vmem>>
      %dma_wait3A_172 = arith.constant 0 : i32
      %dma_wait3A_173 = arith.constant 0 : i32
      %dma_wait3A_174 = tpu.memref_slice %arg2[%dma_wait3A_172, %dma_wait3A_173] : memref<20000x64xf32, #tpu.memory_space<hbm>> -> memref<128x64xf32, #tpu.memory_space<hbm>>
      tpu.wait_dma2 semaphore(%arg9 : memref<!tpu.dma_semaphore, #tpu.memory_space<semaphore_mem>>) src(%dma_wait3A_174 : memref<128x64xf32, #tpu.memory_space<hbm>>) dst(%dma_wait3A_171 : memref<128x64xf32, #tpu.memory_space<vmem>>)
      %dma_start3A_175 = arith.constant 0 : i32
      %dma_start3A_176 = arith.constant 1 : i32
      %dma_start3A_177 = arith.constant 0 : i32
      %dma_start3A_178 = arith.constant 0 : i32
      %dma_start3A_179 = tpu.memref_slice %arg6[%dma_start3A_175, %dma_start3A_177, %dma_start3A_178] : memref<4x128x64xf32, #tpu.memory_space<vmem>> -> memref<1x128x64xf32, #tpu.memory_space<vmem>>
      %dma_start3A_180 = tpu.memref_squeeze %dma_start3A_179 : memref<1x128x64xf32, #tpu.memory_space<vmem>> -> memref<128x64xf32, #tpu.memory_space<vmem>>
      %dma_start3A_181 = arith.constant 0 : i32
      %dma_start3A_182 = tpu.memref_slice %arg5[%add3A_143, %dma_start3A_176, %dma_start3A_181] : memref<157x2x128xi32, #tpu.memory_space<vmem>> -> memref<1x1x128xi32, #tpu.memory_space<vmem>>
      %dma_start3A_183 = tpu.memref_squeeze %dma_start3A_182 : memref<1x1x128xi32, #tpu.memory_space<vmem>> -> memref<128xi32, #tpu.memory_space<vmem>>
      %dma_start3A_184 = arith.constant 0 : i32
      %dma_start3A_185 = arith.constant 0 : i32
      %dma_start3A_186 = tpu.memref_slice %arg8[%dma_start3A_184, %dma_start3A_185] : memref<10000x64xf32, #tpu.memory_space<vmem_shared>> -> memref<10000x64xf32, #tpu.memory_space<vmem_shared>>
      tpu.enqueue_indirect_dma source(%dma_start3A_180 : memref<128x64xf32, #tpu.memory_space<vmem>>) target(%dma_start3A_186 : memref<10000x64xf32, #tpu.memory_space<vmem_shared>>) offsets(%dma_start3A_183 : memref<128xi32, #tpu.memory_space<vmem>>) semaphore(%arg13 : memref<!tpu.dma_semaphore, #tpu.memory_space<semaphore_mem>>) {add = true}
      %mul3A_187 = arith.constant 4 : i32
      %mul3A_188 = arith.muli %scan3A_139, %mul3A_187 : i32
      %add3A_189 = arith.constant 1 : i32
      %add3A_190 = arith.addi %mul3A_188, %add3A_189 : i32
      %add3A_191 = arith.constant 2 : i32
      %add3A_192 = arith.addi %add3A_190, %add3A_191 : i32
      %add3A_193 = arith.constant 2 : i32
      %add3A_194 = arith.addi %add3A_190, %add3A_193 : i32
      %add3A_195 = arith.constant 1 : i32
      %add3A_196 = arith.addi %add3A_194, %add3A_195 : i32
      %lt3A_197 = arith.constant 156 : i32
      %lt3A_198 = arith.cmpi slt, %add3A_196, %lt3A_197 : i32
      %convert_element_type3A_199 = arith.extui %lt3A_198 : i1 to i32
      %cond3A_200 = arith.constant 0 : i32
      %cond3A_201 = arith.cmpi ne, %convert_element_type3A_199, %cond3A_200 : i32
      scf.if %cond3A_201 {
        %add3A_329 = arith.constant 2 : i32
        %add3A_330 = arith.addi %add3A_190, %add3A_329 : i32
        %add3A_331 = arith.constant 1 : i32
        %add3A_332 = arith.addi %add3A_330, %add3A_331 : i32
        %scan3A_333 = arith.constant 0 : i32
        %scan3A_334 = arith.constant 0 : i32
        %scan3A_335 = arith.constant 8 : i32
        %scan3A_336 = arith.addi %scan3A_334, %scan3A_335 : i32
        %scan3A_337 = arith.constant 1 : i32
        %scan3A_338 = scf.for %scan3A_340 = %scan3A_334 to %scan3A_336 step %scan3A_337 iter_args(%scan3A_341 = %scan3A_333) -> (i32)  : i32 {
          %mul3A_342 = arith.constant 16 : i32
          %mul3A_343 = arith.muli %scan3A_340, %mul3A_342 : i32
          %get3A = arith.constant 0 : i32
          %get3A_344 = arith.index_cast %add3A_332 : i32 to index
          %get3A_345 = arith.index_cast %get3A : i32 to index
          %get3A_346 = arith.index_cast %mul3A_343 : i32 to index
          %get3A_347 = tpu.vector_load %arg5[%get3A_344, %get3A_345, %get3A_346] {strides = array<i32>} : memref<157x2x128xi32, #tpu.memory_space<vmem>>, vector<1x1x16xi32>,
          %get3A_348 = vector.shape_cast %get3A_347 : vector<1x1x16xi32> to vector<16xi32>
          %mul3A_349 = arith.constant 2 : i32
          %mul3A_350 = vector.broadcast %mul3A_349 : i32 to vector<16xi32>
          %mul3A_351 = arith.muli %mul3A_350, %get3A_348 : vector<16xi32>
          %add3A_352 = vector.broadcast %arg0 : i32 to vector<16xi32>
          %add3A_353 = arith.addi %mul3A_351, %add3A_352 : vector<16xi32>
          %swap3A = arith.constant 0 : i32
          %swap3A_354 = arith.index_cast %add3A_332 : i32 to index
          %swap3A_355 = arith.index_cast %swap3A : i32 to index
          %swap3A_356 = arith.index_cast %mul3A_343 : i32 to index
          %swap3A_357 = tpu.vector_load %arg5[%swap3A_354, %swap3A_355, %swap3A_356] {strides = array<i32>} : memref<157x2x128xi32, #tpu.memory_space<vmem>>, vector<1x1x16xi32>,
          %swap3A_358 = vector.shape_cast %swap3A_357 : vector<1x1x16xi32> to vector<16xi32>
          %swap3A_359 = vector.shape_cast %add3A_353 : vector<16xi32> to vector<1x1x16xi32>
          tpu.vector_store %arg5[%swap3A_354, %swap3A_355, %swap3A_356], %swap3A_359 {strides = array<i32>} : memref<157x2x128xi32, #tpu.memory_space<vmem>>, vector<1x1x16xi32>,
          %scan3A_360 = arith.constant 0 : i32
          scf.yield %scan3A_360 : i32
        }
        %scan3A_339 = arith.constant 8 : i32
      } else {
      }
      %lt3A_202 = arith.constant 156 : i32
      %lt3A_203 = arith.cmpi slt, %add3A_192, %lt3A_202 : i32
      %convert_element_type3A_204 = arith.extui %lt3A_203 : i1 to i32
      %cond3A_205 = arith.constant 0 : i32
      %cond3A_206 = arith.cmpi ne, %convert_element_type3A_204, %cond3A_205 : i32
      scf.if %cond3A_206 {
        %ge3A = arith.constant 2 : i32
        %ge3A_329 = arith.cmpi sge, %add3A_190, %ge3A : i32
        %convert_element_type3A_330 = arith.extui %ge3A_329 : i1 to i32
        %cond3A_331 = arith.constant 0 : i32
        %cond3A_332 = arith.cmpi ne, %convert_element_type3A_330, %cond3A_331 : i32
        scf.if %cond3A_332 {
          %dma_wait3A_345 = arith.constant 3 : i32
          %dma_wait3A_346 = arith.constant 0 : i32
          %dma_wait3A_347 = arith.constant 0 : i32
          %dma_wait3A_348 = tpu.memref_slice %arg6[%dma_wait3A_345, %dma_wait3A_346, %dma_wait3A_347] : memref<4x128x64xf32, #tpu.memory_space<vmem>> -> memref<1x128x64xf32, #tpu.memory_space<vmem>>
          %dma_wait3A_349 = tpu.memref_squeeze %dma_wait3A_348 : memref<1x128x64xf32, #tpu.memory_space<vmem>> -> memref<128x64xf32, #tpu.memory_space<vmem>>
          %dma_wait3A_350 = arith.constant 0 : i32
          %dma_wait3A_351 = arith.constant 0 : i32
          %dma_wait3A_352 = tpu.memref_slice %arg2[%dma_wait3A_350, %dma_wait3A_351] : memref<20000x64xf32, #tpu.memory_space<hbm>> -> memref<128x64xf32, #tpu.memory_space<hbm>>
          %dma_wait3A_353 = arith.constant 0 : i32
          %dma_wait3A_354 = arith.constant 0 : i32
          %dma_wait3A_355 = tpu.memref_slice %arg6[%dma_wait3A_345, %dma_wait3A_353, %dma_wait3A_354] : memref<4x128x64xf32, #tpu.memory_space<vmem>> -> memref<1x128x64xf32, #tpu.memory_space<vmem>>
          %dma_wait3A_356 = tpu.memref_squeeze %dma_wait3A_355 : memref<1x128x64xf32, #tpu.memory_space<vmem>> -> memref<128x64xf32, #tpu.memory_space<vmem>>
          %dma_wait3A_357 = arith.constant 0 : i32
          %dma_wait3A_358 = arith.constant 0 : i32
          %dma_wait3A_359 = tpu.memref_slice %arg2[%dma_wait3A_357, %dma_wait3A_358] : memref<20000x64xf32, #tpu.memory_space<hbm>> -> memref<128x64xf32, #tpu.memory_space<hbm>>
          tpu.wait_dma2 semaphore(%arg16 : memref<!tpu.dma_semaphore, #tpu.memory_space<semaphore_mem>>) src(%dma_wait3A_359 : memref<128x64xf32, #tpu.memory_space<hbm>>) dst(%dma_wait3A_356 : memref<128x64xf32, #tpu.memory_space<vmem>>)
        } else {
        }
        %dma_start3A_333 = arith.constant 0 : i32
        %dma_start3A_334 = arith.constant 3 : i32
        %dma_start3A_335 = arith.constant 0 : i32
        %dma_start3A_336 = arith.constant 0 : i32
        %dma_start3A_337 = tpu.memref_slice %arg6[%dma_start3A_334, %dma_start3A_335, %dma_start3A_336] : memref<4x128x64xf32, #tpu.memory_space<vmem>> -> memref<1x128x64xf32, #tpu.memory_space<vmem>>
        %dma_start3A_338 = tpu.memref_squeeze %dma_start3A_337 : memref<1x128x64xf32, #tpu.memory_space<vmem>> -> memref<128x64xf32, #tpu.memory_space<vmem>>
        %dma_start3A_339 = arith.constant 0 : i32
        %dma_start3A_340 = tpu.memref_slice %arg5[%add3A_192, %dma_start3A_333, %dma_start3A_339] : memref<157x2x128xi32, #tpu.memory_space<vmem>> -> memref<1x1x128xi32, #tpu.memory_space<vmem>>
        %dma_start3A_341 = tpu.memref_squeeze %dma_start3A_340 : memref<1x1x128xi32, #tpu.memory_space<vmem>> -> memref<128xi32, #tpu.memory_space<vmem>>
        %dma_start3A_342 = arith.constant 0 : i32
        %dma_start3A_343 = arith.constant 0 : i32
        %dma_start3A_344 = tpu.memref_slice %arg2[%dma_start3A_342, %dma_start3A_343] : memref<20000x64xf32, #tpu.memory_space<hbm>> -> memref<20000x64xf32, #tpu.memory_space<hbm>>
        tpu.enqueue_indirect_dma source(%dma_start3A_344 : memref<20000x64xf32, #tpu.memory_space<hbm>>) target(%dma_start3A_338 : memref<128x64xf32, #tpu.memory_space<vmem>>) offsets(%dma_start3A_341 : memref<128xi32, #tpu.memory_space<vmem>>) semaphore(%arg12 : memref<!tpu.dma_semaphore, #tpu.memory_space<semaphore_mem>>)
      } else {
      }
      %dma_wait3A_207 = arith.constant 1 : i32
      %dma_wait3A_208 = arith.constant 0 : i32
      %dma_wait3A_209 = arith.constant 0 : i32
      %dma_wait3A_210 = tpu.memref_slice %arg6[%dma_wait3A_207, %dma_wait3A_208, %dma_wait3A_209] : memref<4x128x64xf32, #tpu.memory_space<vmem>> -> memref<1x128x64xf32, #tpu.memory_space<vmem>>
      %dma_wait3A_211 = tpu.memref_squeeze %dma_wait3A_210 : memref<1x128x64xf32, #tpu.memory_space<vmem>> -> memref<128x64xf32, #tpu.memory_space<vmem>>
      %dma_wait3A_212 = arith.constant 0 : i32
      %dma_wait3A_213 = arith.constant 0 : i32
      %dma_wait3A_214 = tpu.memref_slice %arg2[%dma_wait3A_212, %dma_wait3A_213] : memref<20000x64xf32, #tpu.memory_space<hbm>> -> memref<128x64xf32, #tpu.memory_space<hbm>>
      %dma_wait3A_215 = arith.constant 0 : i32
      %dma_wait3A_216 = arith.constant 0 : i32
      %dma_wait3A_217 = tpu.memref_slice %arg6[%dma_wait3A_207, %dma_wait3A_215, %dma_wait3A_216] : memref<4x128x64xf32, #tpu.memory_space<vmem>> -> memref<1x128x64xf32, #tpu.memory_space<vmem>>
      %dma_wait3A_218 = tpu.memref_squeeze %dma_wait3A_217 : memref<1x128x64xf32, #tpu.memory_space<vmem>> -> memref<128x64xf32, #tpu.memory_space<vmem>>
      %dma_wait3A_219 = arith.constant 0 : i32
      %dma_wait3A_220 = arith.constant 0 : i32
      %dma_wait3A_221 = tpu.memref_slice %arg2[%dma_wait3A_219, %dma_wait3A_220] : memref<20000x64xf32, #tpu.memory_space<hbm>> -> memref<128x64xf32, #tpu.memory_space<hbm>>
      tpu.wait_dma2 semaphore(%arg10 : memref<!tpu.dma_semaphore, #tpu.memory_space<semaphore_mem>>) src(%dma_wait3A_221 : memref<128x64xf32, #tpu.memory_space<hbm>>) dst(%dma_wait3A_218 : memref<128x64xf32, #tpu.memory_space<vmem>>)
      %dma_start3A_222 = arith.constant 1 : i32
      %dma_start3A_223 = arith.constant 1 : i32
      %dma_start3A_224 = arith.constant 0 : i32
      %dma_start3A_225 = arith.constant 0 : i32
      %dma_start3A_226 = tpu.memref_slice %arg6[%dma_start3A_222, %dma_start3A_224, %dma_start3A_225] : memref<4x128x64xf32, #tpu.memory_space<vmem>> -> memref<1x128x64xf32, #tpu.memory_space<vmem>>
      %dma_start3A_227 = tpu.memref_squeeze %dma_start3A_226 : memref<1x128x64xf32, #tpu.memory_space<vmem>> -> memref<128x64xf32, #tpu.memory_space<vmem>>
      %dma_start3A_228 = arith.constant 0 : i32
      %dma_start3A_229 = tpu.memref_slice %arg5[%add3A_190, %dma_start3A_223, %dma_start3A_228] : memref<157x2x128xi32, #tpu.memory_space<vmem>> -> memref<1x1x128xi32, #tpu.memory_space<vmem>>
      %dma_start3A_230 = tpu.memref_squeeze %dma_start3A_229 : memref<1x1x128xi32, #tpu.memory_space<vmem>> -> memref<128xi32, #tpu.memory_space<vmem>>
      %dma_start3A_231 = arith.constant 0 : i32
      %dma_start3A_232 = arith.constant 0 : i32
      %dma_start3A_233 = tpu.memref_slice %arg8[%dma_start3A_231, %dma_start3A_232] : memref<10000x64xf32, #tpu.memory_space<vmem_shared>> -> memref<10000x64xf32, #tpu.memory_space<vmem_shared>>
      tpu.enqueue_indirect_dma source(%dma_start3A_227 : memref<128x64xf32, #tpu.memory_space<vmem>>) target(%dma_start3A_233 : memref<10000x64xf32, #tpu.memory_space<vmem_shared>>) offsets(%dma_start3A_230 : memref<128xi32, #tpu.memory_space<vmem>>) semaphore(%arg14 : memref<!tpu.dma_semaphore, #tpu.memory_space<semaphore_mem>>) {add = true}
      %mul3A_234 = arith.constant 4 : i32
      %mul3A_235 = arith.muli %scan3A_139, %mul3A_234 : i32
      %add3A_236 = arith.constant 2 : i32
      %add3A_237 = arith.addi %mul3A_235, %add3A_236 : i32
      %add3A_238 = arith.constant 2 : i32
      %add3A_239 = arith.addi %add3A_237, %add3A_238 : i32
      %add3A_240 = arith.constant 2 : i32
      %add3A_241 = arith.addi %add3A_237, %add3A_240 : i32
      %add3A_242 = arith.constant 1 : i32
      %add3A_243 = arith.addi %add3A_241, %add3A_242 : i32
      %lt3A_244 = arith.constant 156 : i32
      %lt3A_245 = arith.cmpi slt, %add3A_243, %lt3A_244 : i32
      %convert_element_type3A_246 = arith.extui %lt3A_245 : i1 to i32
      %cond3A_247 = arith.constant 0 : i32
      %cond3A_248 = arith.cmpi ne, %convert_element_type3A_246, %cond3A_247 : i32
      scf.if %cond3A_248 {
        %add3A_329 = arith.constant 2 : i32
        %add3A_330 = arith.addi %add3A_237, %add3A_329 : i32
        %add3A_331 = arith.constant 1 : i32
        %add3A_332 = arith.addi %add3A_330, %add3A_331 : i32
        %scan3A_333 = arith.constant 0 : i32
        %scan3A_334 = arith.constant 0 : i32
        %scan3A_335 = arith.constant 8 : i32
        %scan3A_336 = arith.addi %scan3A_334, %scan3A_335 : i32
        %scan3A_337 = arith.constant 1 : i32
        %scan3A_338 = scf.for %scan3A_340 = %scan3A_334 to %scan3A_336 step %scan3A_337 iter_args(%scan3A_341 = %scan3A_333) -> (i32)  : i32 {
          %mul3A_342 = arith.constant 16 : i32
          %mul3A_343 = arith.muli %scan3A_340, %mul3A_342 : i32
          %get3A = arith.constant 0 : i32
          %get3A_344 = arith.index_cast %add3A_332 : i32 to index
          %get3A_345 = arith.index_cast %get3A : i32 to index
          %get3A_346 = arith.index_cast %mul3A_343 : i32 to index
          %get3A_347 = tpu.vector_load %arg5[%get3A_344, %get3A_345, %get3A_346] {strides = array<i32>} : memref<157x2x128xi32, #tpu.memory_space<vmem>>, vector<1x1x16xi32>,
          %get3A_348 = vector.shape_cast %get3A_347 : vector<1x1x16xi32> to vector<16xi32>
          %mul3A_349 = arith.constant 2 : i32
          %mul3A_350 = vector.broadcast %mul3A_349 : i32 to vector<16xi32>
          %mul3A_351 = arith.muli %mul3A_350, %get3A_348 : vector<16xi32>
          %add3A_352 = vector.broadcast %arg0 : i32 to vector<16xi32>
          %add3A_353 = arith.addi %mul3A_351, %add3A_352 : vector<16xi32>
          %swap3A = arith.constant 0 : i32
          %swap3A_354 = arith.index_cast %add3A_332 : i32 to index
          %swap3A_355 = arith.index_cast %swap3A : i32 to index
          %swap3A_356 = arith.index_cast %mul3A_343 : i32 to index
          %swap3A_357 = tpu.vector_load %arg5[%swap3A_354, %swap3A_355, %swap3A_356] {strides = array<i32>} : memref<157x2x128xi32, #tpu.memory_space<vmem>>, vector<1x1x16xi32>,
          %swap3A_358 = vector.shape_cast %swap3A_357 : vector<1x1x16xi32> to vector<16xi32>
          %swap3A_359 = vector.shape_cast %add3A_353 : vector<16xi32> to vector<1x1x16xi32>
          tpu.vector_store %arg5[%swap3A_354, %swap3A_355, %swap3A_356], %swap3A_359 {strides = array<i32>} : memref<157x2x128xi32, #tpu.memory_space<vmem>>, vector<1x1x16xi32>,
          %scan3A_360 = arith.constant 0 : i32
          scf.yield %scan3A_360 : i32
        }
        %scan3A_339 = arith.constant 8 : i32
      } else {
      }
      %lt3A_249 = arith.constant 156 : i32
      %lt3A_250 = arith.cmpi slt, %add3A_239, %lt3A_249 : i32
      %convert_element_type3A_251 = arith.extui %lt3A_250 : i1 to i32
      %cond3A_252 = arith.constant 0 : i32
      %cond3A_253 = arith.cmpi ne, %convert_element_type3A_251, %cond3A_252 : i32
      scf.if %cond3A_253 {
        %ge3A = arith.constant 2 : i32
        %ge3A_329 = arith.cmpi sge, %add3A_237, %ge3A : i32
        %convert_element_type3A_330 = arith.extui %ge3A_329 : i1 to i32
        %cond3A_331 = arith.constant 0 : i32
        %cond3A_332 = arith.cmpi ne, %convert_element_type3A_330, %cond3A_331 : i32
        scf.if %cond3A_332 {
          %dma_wait3A_345 = arith.constant 0 : i32
          %dma_wait3A_346 = arith.constant 0 : i32
          %dma_wait3A_347 = arith.constant 0 : i32
          %dma_wait3A_348 = tpu.memref_slice %arg6[%dma_wait3A_345, %dma_wait3A_346, %dma_wait3A_347] : memref<4x128x64xf32, #tpu.memory_space<vmem>> -> memref<1x128x64xf32, #tpu.memory_space<vmem>>
          %dma_wait3A_349 = tpu.memref_squeeze %dma_wait3A_348 : memref<1x128x64xf32, #tpu.memory_space<vmem>> -> memref<128x64xf32, #tpu.memory_space<vmem>>
          %dma_wait3A_350 = arith.constant 0 : i32
          %dma_wait3A_351 = arith.constant 0 : i32
          %dma_wait3A_352 = tpu.memref_slice %arg2[%dma_wait3A_350, %dma_wait3A_351] : memref<20000x64xf32, #tpu.memory_space<hbm>> -> memref<128x64xf32, #tpu.memory_space<hbm>>
          %dma_wait3A_353 = arith.constant 0 : i32
          %dma_wait3A_354 = arith.constant 0 : i32
          %dma_wait3A_355 = tpu.memref_slice %arg6[%dma_wait3A_345, %dma_wait3A_353, %dma_wait3A_354] : memref<4x128x64xf32, #tpu.memory_space<vmem>> -> memref<1x128x64xf32, #tpu.memory_space<vmem>>
          %dma_wait3A_356 = tpu.memref_squeeze %dma_wait3A_355 : memref<1x128x64xf32, #tpu.memory_space<vmem>> -> memref<128x64xf32, #tpu.memory_space<vmem>>
          %dma_wait3A_357 = arith.constant 0 : i32
          %dma_wait3A_358 = arith.constant 0 : i32
          %dma_wait3A_359 = tpu.memref_slice %arg2[%dma_wait3A_357, %dma_wait3A_358] : memref<20000x64xf32, #tpu.memory_space<hbm>> -> memref<128x64xf32, #tpu.memory_space<hbm>>
          tpu.wait_dma2 semaphore(%arg13 : memref<!tpu.dma_semaphore, #tpu.memory_space<semaphore_mem>>) src(%dma_wait3A_359 : memref<128x64xf32, #tpu.memory_space<hbm>>) dst(%dma_wait3A_356 : memref<128x64xf32, #tpu.memory_space<vmem>>)
        } else {
        }
        %dma_start3A_333 = arith.constant 0 : i32
        %dma_start3A_334 = arith.constant 0 : i32
        %dma_start3A_335 = arith.constant 0 : i32
        %dma_start3A_336 = arith.constant 0 : i32
        %dma_start3A_337 = tpu.memref_slice %arg6[%dma_start3A_334, %dma_start3A_335, %dma_start3A_336] : memref<4x128x64xf32, #tpu.memory_space<vmem>> -> memref<1x128x64xf32, #tpu.memory_space<vmem>>
        %dma_start3A_338 = tpu.memref_squeeze %dma_start3A_337 : memref<1x128x64xf32, #tpu.memory_space<vmem>> -> memref<128x64xf32, #tpu.memory_space<vmem>>
        %dma_start3A_339 = arith.constant 0 : i32
        %dma_start3A_340 = tpu.memref_slice %arg5[%add3A_239, %dma_start3A_333, %dma_start3A_339] : memref<157x2x128xi32, #tpu.memory_space<vmem>> -> memref<1x1x128xi32, #tpu.memory_space<vmem>>
        %dma_start3A_341 = tpu.memref_squeeze %dma_start3A_340 : memref<1x1x128xi32, #tpu.memory_space<vmem>> -> memref<128xi32, #tpu.memory_space<vmem>>
        %dma_start3A_342 = arith.constant 0 : i32
        %dma_start3A_343 = arith.constant 0 : i32
        %dma_start3A_344 = tpu.memref_slice %arg2[%dma_start3A_342, %dma_start3A_343] : memref<20000x64xf32, #tpu.memory_space<hbm>> -> memref<20000x64xf32, #tpu.memory_space<hbm>>
        tpu.enqueue_indirect_dma source(%dma_start3A_344 : memref<20000x64xf32, #tpu.memory_space<hbm>>) target(%dma_start3A_338 : memref<128x64xf32, #tpu.memory_space<vmem>>) offsets(%dma_start3A_341 : memref<128xi32, #tpu.memory_space<vmem>>) semaphore(%arg9 : memref<!tpu.dma_semaphore, #tpu.memory_space<semaphore_mem>>)
      } else {
      }
      %dma_wait3A_254 = arith.constant 2 : i32
      %dma_wait3A_255 = arith.constant 0 : i32
      %dma_wait3A_256 = arith.constant 0 : i32
      %dma_wait3A_257 = tpu.memref_slice %arg6[%dma_wait3A_254, %dma_wait3A_255, %dma_wait3A_256] : memref<4x128x64xf32, #tpu.memory_space<vmem>> -> memref<1x128x64xf32, #tpu.memory_space<vmem>>
      %dma_wait3A_258 = tpu.memref_squeeze %dma_wait3A_257 : memref<1x128x64xf32, #tpu.memory_space<vmem>> -> memref<128x64xf32, #tpu.memory_space<vmem>>
      %dma_wait3A_259 = arith.constant 0 : i32
      %dma_wait3A_260 = arith.constant 0 : i32
      %dma_wait3A_261 = tpu.memref_slice %arg2[%dma_wait3A_259, %dma_wait3A_260] : memref<20000x64xf32, #tpu.memory_space<hbm>> -> memref<128x64xf32, #tpu.memory_space<hbm>>
      %dma_wait3A_262 = arith.constant 0 : i32
      %dma_wait3A_263 = arith.constant 0 : i32
      %dma_wait3A_264 = tpu.memref_slice %arg6[%dma_wait3A_254, %dma_wait3A_262, %dma_wait3A_263] : memref<4x128x64xf32, #tpu.memory_space<vmem>> -> memref<1x128x64xf32, #tpu.memory_space<vmem>>
      %dma_wait3A_265 = tpu.memref_squeeze %dma_wait3A_264 : memref<1x128x64xf32, #tpu.memory_space<vmem>> -> memref<128x64xf32, #tpu.memory_space<vmem>>
      %dma_wait3A_266 = arith.constant 0 : i32
      %dma_wait3A_267 = arith.constant 0 : i32
      %dma_wait3A_268 = tpu.memref_slice %arg2[%dma_wait3A_266, %dma_wait3A_267] : memref<20000x64xf32, #tpu.memory_space<hbm>> -> memref<128x64xf32, #tpu.memory_space<hbm>>
      tpu.wait_dma2 semaphore(%arg11 : memref<!tpu.dma_semaphore, #tpu.memory_space<semaphore_mem>>) src(%dma_wait3A_268 : memref<128x64xf32, #tpu.memory_space<hbm>>) dst(%dma_wait3A_265 : memref<128x64xf32, #tpu.memory_space<vmem>>)
      %dma_start3A_269 = arith.constant 2 : i32
      %dma_start3A_270 = arith.constant 1 : i32
      %dma_start3A_271 = arith.constant 0 : i32
      %dma_start3A_272 = arith.constant 0 : i32
      %dma_start3A_273 = tpu.memref_slice %arg6[%dma_start3A_269, %dma_start3A_271, %dma_start3A_272] : memref<4x128x64xf32, #tpu.memory_space<vmem>> -> memref<1x128x64xf32, #tpu.memory_space<vmem>>
      %dma_start3A_274 = tpu.memref_squeeze %dma_start3A_273 : memref<1x128x64xf32, #tpu.memory_space<vmem>> -> memref<128x64xf32, #tpu.memory_space<vmem>>
      %dma_start3A_275 = arith.constant 0 : i32
      %dma_start3A_276 = tpu.memref_slice %arg5[%add3A_237, %dma_start3A_270, %dma_start3A_275] : memref<157x2x128xi32, #tpu.memory_space<vmem>> -> memref<1x1x128xi32, #tpu.memory_space<vmem>>
      %dma_start3A_277 = tpu.memref_squeeze %dma_start3A_276 : memref<1x1x128xi32, #tpu.memory_space<vmem>> -> memref<128xi32, #tpu.memory_space<vmem>>
      %dma_start3A_278 = arith.constant 0 : i32
      %dma_start3A_279 = arith.constant 0 : i32
      %dma_start3A_280 = tpu.memref_slice %arg8[%dma_start3A_278, %dma_start3A_279] : memref<10000x64xf32, #tpu.memory_space<vmem_shared>> -> memref<10000x64xf32, #tpu.memory_space<vmem_shared>>
      tpu.enqueue_indirect_dma source(%dma_start3A_274 : memref<128x64xf32, #tpu.memory_space<vmem>>) target(%dma_start3A_280 : memref<10000x64xf32, #tpu.memory_space<vmem_shared>>) offsets(%dma_start3A_277 : memref<128xi32, #tpu.memory_space<vmem>>) semaphore(%arg15 : memref<!tpu.dma_semaphore, #tpu.memory_space<semaphore_mem>>) {add = true}
      %mul3A_281 = arith.constant 4 : i32
      %mul3A_282 = arith.muli %scan3A_139, %mul3A_281 : i32
      %add3A_283 = arith.constant 3 : i32
      %add3A_284 = arith.addi %mul3A_282, %add3A_283 : i32
      %add3A_285 = arith.constant 2 : i32
      %add3A_286 = arith.addi %add3A_284, %add3A_285 : i32
      %add3A_287 = arith.constant 2 : i32
      %add3A_288 = arith.addi %add3A_284, %add3A_287 : i32
      %add3A_289 = arith.constant 1 : i32
      %add3A_290 = arith.addi %add3A_288, %add3A_289 : i32
      %lt3A_291 = arith.constant 156 : i32
      %lt3A_292 = arith.cmpi slt, %add3A_290, %lt3A_291 : i32
      %convert_element_type3A_293 = arith.extui %lt3A_292 : i1 to i32
      %cond3A_294 = arith.constant 0 : i32
      %cond3A_295 = arith.cmpi ne, %convert_element_type3A_293, %cond3A_294 : i32
      scf.if %cond3A_295 {
        %add3A_329 = arith.constant 2 : i32
        %add3A_330 = arith.addi %add3A_284, %add3A_329 : i32
        %add3A_331 = arith.constant 1 : i32
        %add3A_332 = arith.addi %add3A_330, %add3A_331 : i32
        %scan3A_333 = arith.constant 0 : i32
        %scan3A_334 = arith.constant 0 : i32
        %scan3A_335 = arith.constant 8 : i32
        %scan3A_336 = arith.addi %scan3A_334, %scan3A_335 : i32
        %scan3A_337 = arith.constant 1 : i32
        %scan3A_338 = scf.for %scan3A_340 = %scan3A_334 to %scan3A_336 step %scan3A_337 iter_args(%scan3A_341 = %scan3A_333) -> (i32)  : i32 {
          %mul3A_342 = arith.constant 16 : i32
          %mul3A_343 = arith.muli %scan3A_340, %mul3A_342 : i32
          %get3A = arith.constant 0 : i32
          %get3A_344 = arith.index_cast %add3A_332 : i32 to index
          %get3A_345 = arith.index_cast %get3A : i32 to index
          %get3A_346 = arith.index_cast %mul3A_343 : i32 to index
          %get3A_347 = tpu.vector_load %arg5[%get3A_344, %get3A_345, %get3A_346] {strides = array<i32>} : memref<157x2x128xi32, #tpu.memory_space<vmem>>, vector<1x1x16xi32>,
          %get3A_348 = vector.shape_cast %get3A_347 : vector<1x1x16xi32> to vector<16xi32>
          %mul3A_349 = arith.constant 2 : i32
          %mul3A_350 = vector.broadcast %mul3A_349 : i32 to vector<16xi32>
          %mul3A_351 = arith.muli %mul3A_350, %get3A_348 : vector<16xi32>
          %add3A_352 = vector.broadcast %arg0 : i32 to vector<16xi32>
          %add3A_353 = arith.addi %mul3A_351, %add3A_352 : vector<16xi32>
          %swap3A = arith.constant 0 : i32
          %swap3A_354 = arith.index_cast %add3A_332 : i32 to index
          %swap3A_355 = arith.index_cast %swap3A : i32 to index
          %swap3A_356 = arith.index_cast %mul3A_343 : i32 to index
          %swap3A_357 = tpu.vector_load %arg5[%swap3A_354, %swap3A_355, %swap3A_356] {strides = array<i32>} : memref<157x2x128xi32, #tpu.memory_space<vmem>>, vector<1x1x16xi32>,
          %swap3A_358 = vector.shape_cast %swap3A_357 : vector<1x1x16xi32> to vector<16xi32>
          %swap3A_359 = vector.shape_cast %add3A_353 : vector<16xi32> to vector<1x1x16xi32>
          tpu.vector_store %arg5[%swap3A_354, %swap3A_355, %swap3A_356], %swap3A_359 {strides = array<i32>} : memref<157x2x128xi32, #tpu.memory_space<vmem>>, vector<1x1x16xi32>,
          %scan3A_360 = arith.constant 0 : i32
          scf.yield %scan3A_360 : i32
        }
        %scan3A_339 = arith.constant 8 : i32
      } else {
      }
      %lt3A_296 = arith.constant 156 : i32
      %lt3A_297 = arith.cmpi slt, %add3A_286, %lt3A_296 : i32
      %convert_element_type3A_298 = arith.extui %lt3A_297 : i1 to i32
      %cond3A_299 = arith.constant 0 : i32
      %cond3A_300 = arith.cmpi ne, %convert_element_type3A_298, %cond3A_299 : i32
      scf.if %cond3A_300 {
        %ge3A = arith.constant 2 : i32
        %ge3A_329 = arith.cmpi sge, %add3A_284, %ge3A : i32
        %convert_element_type3A_330 = arith.extui %ge3A_329 : i1 to i32
        %cond3A_331 = arith.constant 0 : i32
        %cond3A_332 = arith.cmpi ne, %convert_element_type3A_330, %cond3A_331 : i32
        scf.if %cond3A_332 {
          %dma_wait3A_345 = arith.constant 1 : i32
          %dma_wait3A_346 = arith.constant 0 : i32
          %dma_wait3A_347 = arith.constant 0 : i32
          %dma_wait3A_348 = tpu.memref_slice %arg6[%dma_wait3A_345, %dma_wait3A_346, %dma_wait3A_347] : memref<4x128x64xf32, #tpu.memory_space<vmem>> -> memref<1x128x64xf32, #tpu.memory_space<vmem>>
          %dma_wait3A_349 = tpu.memref_squeeze %dma_wait3A_348 : memref<1x128x64xf32, #tpu.memory_space<vmem>> -> memref<128x64xf32, #tpu.memory_space<vmem>>
          %dma_wait3A_350 = arith.constant 0 : i32
          %dma_wait3A_351 = arith.constant 0 : i32
          %dma_wait3A_352 = tpu.memref_slice %arg2[%dma_wait3A_350, %dma_wait3A_351] : memref<20000x64xf32, #tpu.memory_space<hbm>> -> memref<128x64xf32, #tpu.memory_space<hbm>>
          %dma_wait3A_353 = arith.constant 0 : i32
          %dma_wait3A_354 = arith.constant 0 : i32
          %dma_wait3A_355 = tpu.memref_slice %arg6[%dma_wait3A_345, %dma_wait3A_353, %dma_wait3A_354] : memref<4x128x64xf32, #tpu.memory_space<vmem>> -> memref<1x128x64xf32, #tpu.memory_space<vmem>>
          %dma_wait3A_356 = tpu.memref_squeeze %dma_wait3A_355 : memref<1x128x64xf32, #tpu.memory_space<vmem>> -> memref<128x64xf32, #tpu.memory_space<vmem>>
          %dma_wait3A_357 = arith.constant 0 : i32
          %dma_wait3A_358 = arith.constant 0 : i32
          %dma_wait3A_359 = tpu.memref_slice %arg2[%dma_wait3A_357, %dma_wait3A_358] : memref<20000x64xf32, #tpu.memory_space<hbm>> -> memref<128x64xf32, #tpu.memory_space<hbm>>
          tpu.wait_dma2 semaphore(%arg14 : memref<!tpu.dma_semaphore, #tpu.memory_space<semaphore_mem>>) src(%dma_wait3A_359 : memref<128x64xf32, #tpu.memory_space<hbm>>) dst(%dma_wait3A_356 : memref<128x64xf32, #tpu.memory_space<vmem>>)
        } else {
        }
        %dma_start3A_333 = arith.constant 0 : i32
        %dma_start3A_334 = arith.constant 1 : i32
        %dma_start3A_335 = arith.constant 0 : i32
        %dma_start3A_336 = arith.constant 0 : i32
        %dma_start3A_337 = tpu.memref_slice %arg6[%dma_start3A_334, %dma_start3A_335, %dma_start3A_336] : memref<4x128x64xf32, #tpu.memory_space<vmem>> -> memref<1x128x64xf32, #tpu.memory_space<vmem>>
        %dma_start3A_338 = tpu.memref_squeeze %dma_start3A_337 : memref<1x128x64xf32, #tpu.memory_space<vmem>> -> memref<128x64xf32, #tpu.memory_space<vmem>>
        %dma_start3A_339 = arith.constant 0 : i32
        %dma_start3A_340 = tpu.memref_slice %arg5[%add3A_286, %dma_start3A_333, %dma_start3A_339] : memref<157x2x128xi32, #tpu.memory_space<vmem>> -> memref<1x1x128xi32, #tpu.memory_space<vmem>>
        %dma_start3A_341 = tpu.memref_squeeze %dma_start3A_340 : memref<1x1x128xi32, #tpu.memory_space<vmem>> -> memref<128xi32, #tpu.memory_space<vmem>>
        %dma_start3A_342 = arith.constant 0 : i32
        %dma_start3A_343 = arith.constant 0 : i32
        %dma_start3A_344 = tpu.memref_slice %arg2[%dma_start3A_342, %dma_start3A_343] : memref<20000x64xf32, #tpu.memory_space<hbm>> -> memref<20000x64xf32, #tpu.memory_space<hbm>>
        tpu.enqueue_indirect_dma source(%dma_start3A_344 : memref<20000x64xf32, #tpu.memory_space<hbm>>) target(%dma_start3A_338 : memref<128x64xf32, #tpu.memory_space<vmem>>) offsets(%dma_start3A_341 : memref<128xi32, #tpu.memory_space<vmem>>) semaphore(%arg10 : memref<!tpu.dma_semaphore, #tpu.memory_space<semaphore_mem>>)
      } else {
      }
      %dma_wait3A_301 = arith.constant 3 : i32
      %dma_wait3A_302 = arith.constant 0 : i32
      %dma_wait3A_303 = arith.constant 0 : i32
      %dma_wait3A_304 = tpu.memref_slice %arg6[%dma_wait3A_301, %dma_wait3A_302, %dma_wait3A_303] : memref<4x128x64xf32, #tpu.memory_space<vmem>> -> memref<1x128x64xf32, #tpu.memory_space<vmem>>
      %dma_wait3A_305 = tpu.memref_squeeze %dma_wait3A_304 : memref<1x128x64xf32, #tpu.memory_space<vmem>> -> memref<128x64xf32, #tpu.memory_space<vmem>>
      %dma_wait3A_306 = arith.constant 0 : i32
      %dma_wait3A_307 = arith.constant 0 : i32
      %dma_wait3A_308 = tpu.memref_slice %arg2[%dma_wait3A_306, %dma_wait3A_307] : memref<20000x64xf32, #tpu.memory_space<hbm>> -> memref<128x64xf32, #tpu.memory_space<hbm>>
      %dma_wait3A_309 = arith.constant 0 : i32
      %dma_wait3A_310 = arith.constant 0 : i32
      %dma_wait3A_311 = tpu.memref_slice %arg6[%dma_wait3A_301, %dma_wait3A_309, %dma_wait3A_310] : memref<4x128x64xf32, #tpu.memory_space<vmem>> -> memref<1x128x64xf32, #tpu.memory_space<vmem>>
      %dma_wait3A_312 = tpu.memref_squeeze %dma_wait3A_311 : memref<1x128x64xf32, #tpu.memory_space<vmem>> -> memref<128x64xf32, #tpu.memory_space<vmem>>
      %dma_wait3A_313 = arith.constant 0 : i32
      %dma_wait3A_314 = arith.constant 0 : i32
      %dma_wait3A_315 = tpu.memref_slice %arg2[%dma_wait3A_313, %dma_wait3A_314] : memref<20000x64xf32, #tpu.memory_space<hbm>> -> memref<128x64xf32, #tpu.memory_space<hbm>>
      tpu.wait_dma2 semaphore(%arg12 : memref<!tpu.dma_semaphore, #tpu.memory_space<semaphore_mem>>) src(%dma_wait3A_315 : memref<128x64xf32, #tpu.memory_space<hbm>>) dst(%dma_wait3A_312 : memref<128x64xf32, #tpu.memory_space<vmem>>)
      %dma_start3A_316 = arith.constant 3 : i32
      %dma_start3A_317 = arith.constant 1 : i32
      %dma_start3A_318 = arith.constant 0 : i32
      %dma_start3A_319 = arith.constant 0 : i32
      %dma_start3A_320 = tpu.memref_slice %arg6[%dma_start3A_316, %dma_start3A_318, %dma_start3A_319] : memref<4x128x64xf32, #tpu.memory_space<vmem>> -> memref<1x128x64xf32, #tpu.memory_space<vmem>>
      %dma_start3A_321 = tpu.memref_squeeze %dma_start3A_320 : memref<1x128x64xf32, #tpu.memory_space<vmem>> -> memref<128x64xf32, #tpu.memory_space<vmem>>
      %dma_start3A_322 = arith.constant 0 : i32
      %dma_start3A_323 = tpu.memref_slice %arg5[%add3A_284, %dma_start3A_317, %dma_start3A_322] : memref<157x2x128xi32, #tpu.memory_space<vmem>> -> memref<1x1x128xi32, #tpu.memory_space<vmem>>
      %dma_start3A_324 = tpu.memref_squeeze %dma_start3A_323 : memref<1x1x128xi32, #tpu.memory_space<vmem>> -> memref<128xi32, #tpu.memory_space<vmem>>
      %dma_start3A_325 = arith.constant 0 : i32
      %dma_start3A_326 = arith.constant 0 : i32
      %dma_start3A_327 = tpu.memref_slice %arg8[%dma_start3A_325, %dma_start3A_326] : memref<10000x64xf32, #tpu.memory_space<vmem_shared>> -> memref<10000x64xf32, #tpu.memory_space<vmem_shared>>
      tpu.enqueue_indirect_dma source(%dma_start3A_321 : memref<128x64xf32, #tpu.memory_space<vmem>>) target(%dma_start3A_327 : memref<10000x64xf32, #tpu.memory_space<vmem_shared>>) offsets(%dma_start3A_324 : memref<128xi32, #tpu.memory_space<vmem>>) semaphore(%arg16 : memref<!tpu.dma_semaphore, #tpu.memory_space<semaphore_mem>>) {add = true}
      %scan3A_328 = arith.constant 0 : i32
      scf.yield %scan3A_328 : i32
    }
    %scan3A_68 = arith.constant 39 : i32
    %dma_wait3A = arith.constant 0 : i32
    %dma_wait3A_69 = arith.constant 0 : i32
    %dma_wait3A_70 = arith.constant 0 : i32
    %dma_wait3A_71 = tpu.memref_slice %arg6[%dma_wait3A, %dma_wait3A_69, %dma_wait3A_70] : memref<4x128x64xf32, #tpu.memory_space<vmem>> -> memref<1x128x64xf32, #tpu.memory_space<vmem>>
    %dma_wait3A_72 = tpu.memref_squeeze %dma_wait3A_71 : memref<1x128x64xf32, #tpu.memory_space<vmem>> -> memref<128x64xf32, #tpu.memory_space<vmem>>
    %dma_wait3A_73 = arith.constant 0 : i32
    %dma_wait3A_74 = arith.constant 0 : i32
    %dma_wait3A_75 = tpu.memref_slice %arg2[%dma_wait3A_73, %dma_wait3A_74] : memref<20000x64xf32, #tpu.memory_space<hbm>> -> memref<128x64xf32, #tpu.memory_space<hbm>>
    %dma_wait3A_76 = arith.constant 0 : i32
    %dma_wait3A_77 = arith.constant 0 : i32
    %dma_wait3A_78 = tpu.memref_slice %arg6[%dma_wait3A, %dma_wait3A_76, %dma_wait3A_77] : memref<4x128x64xf32, #tpu.memory_space<vmem>> -> memref<1x128x64xf32, #tpu.memory_space<vmem>>
    %dma_wait3A_79 = tpu.memref_squeeze %dma_wait3A_78 : memref<1x128x64xf32, #tpu.memory_space<vmem>> -> memref<128x64xf32, #tpu.memory_space<vmem>>
    %dma_wait3A_80 = arith.constant 0 : i32
    %dma_wait3A_81 = arith.constant 0 : i32
    %dma_wait3A_82 = tpu.memref_slice %arg2[%dma_wait3A_80, %dma_wait3A_81] : memref<20000x64xf32, #tpu.memory_space<hbm>> -> memref<128x64xf32, #tpu.memory_space<hbm>>
    tpu.wait_dma2 semaphore(%arg13 : memref<!tpu.dma_semaphore, #tpu.memory_space<semaphore_mem>>) src(%dma_wait3A_82 : memref<128x64xf32, #tpu.memory_space<hbm>>) dst(%dma_wait3A_79 : memref<128x64xf32, #tpu.memory_space<vmem>>)
    %dma_wait3A_83 = arith.constant 1 : i32
    %dma_wait3A_84 = arith.constant 0 : i32
    %dma_wait3A_85 = arith.constant 0 : i32
    %dma_wait3A_86 = tpu.memref_slice %arg6[%dma_wait3A_83, %dma_wait3A_84, %dma_wait3A_85] : memref<4x128x64xf32, #tpu.memory_space<vmem>> -> memref<1x128x64xf32, #tpu.memory_space<vmem>>
    %dma_wait3A_87 = tpu.memref_squeeze %dma_wait3A_86 : memref<1x128x64xf32, #tpu.memory_space<vmem>> -> memref<128x64xf32, #tpu.memory_space<vmem>>
    %dma_wait3A_88 = arith.constant 0 : i32
    %dma_wait3A_89 = arith.constant 0 : i32
    %dma_wait3A_90 = tpu.memref_slice %arg2[%dma_wait3A_88, %dma_wait3A_89] : memref<20000x64xf32, #tpu.memory_space<hbm>> -> memref<128x64xf32, #tpu.memory_space<hbm>>
    %dma_wait3A_91 = arith.constant 0 : i32
    %dma_wait3A_92 = arith.constant 0 : i32
    %dma_wait3A_93 = tpu.memref_slice %arg6[%dma_wait3A_83, %dma_wait3A_91, %dma_wait3A_92] : memref<4x128x64xf32, #tpu.memory_space<vmem>> -> memref<1x128x64xf32, #tpu.memory_space<vmem>>
    %dma_wait3A_94 = tpu.memref_squeeze %dma_wait3A_93 : memref<1x128x64xf32, #tpu.memory_space<vmem>> -> memref<128x64xf32, #tpu.memory_space<vmem>>
    %dma_wait3A_95 = arith.constant 0 : i32
    %dma_wait3A_96 = arith.constant 0 : i32
    %dma_wait3A_97 = tpu.memref_slice %arg2[%dma_wait3A_95, %dma_wait3A_96] : memref<20000x64xf32, #tpu.memory_space<hbm>> -> memref<128x64xf32, #tpu.memory_space<hbm>>
    tpu.wait_dma2 semaphore(%arg14 : memref<!tpu.dma_semaphore, #tpu.memory_space<semaphore_mem>>) src(%dma_wait3A_97 : memref<128x64xf32, #tpu.memory_space<hbm>>) dst(%dma_wait3A_94 : memref<128x64xf32, #tpu.memory_space<vmem>>)
    %dma_wait3A_98 = arith.constant 2 : i32
    %dma_wait3A_99 = arith.constant 0 : i32
    %dma_wait3A_100 = arith.constant 0 : i32
    %dma_wait3A_101 = tpu.memref_slice %arg6[%dma_wait3A_98, %dma_wait3A_99, %dma_wait3A_100] : memref<4x128x64xf32, #tpu.memory_space<vmem>> -> memref<1x128x64xf32, #tpu.memory_space<vmem>>
    %dma_wait3A_102 = tpu.memref_squeeze %dma_wait3A_101 : memref<1x128x64xf32, #tpu.memory_space<vmem>> -> memref<128x64xf32, #tpu.memory_space<vmem>>
    %dma_wait3A_103 = arith.constant 0 : i32
    %dma_wait3A_104 = arith.constant 0 : i32
    %dma_wait3A_105 = tpu.memref_slice %arg2[%dma_wait3A_103, %dma_wait3A_104] : memref<20000x64xf32, #tpu.memory_space<hbm>> -> memref<128x64xf32, #tpu.memory_space<hbm>>
    %dma_wait3A_106 = arith.constant 0 : i32
    %dma_wait3A_107 = arith.constant 0 : i32
    %dma_wait3A_108 = tpu.memref_slice %arg6[%dma_wait3A_98, %dma_wait3A_106, %dma_wait3A_107] : memref<4x128x64xf32, #tpu.memory_space<vmem>> -> memref<1x128x64xf32, #tpu.memory_space<vmem>>
    %dma_wait3A_109 = tpu.memref_squeeze %dma_wait3A_108 : memref<1x128x64xf32, #tpu.memory_space<vmem>> -> memref<128x64xf32, #tpu.memory_space<vmem>>
    %dma_wait3A_110 = arith.constant 0 : i32
    %dma_wait3A_111 = arith.constant 0 : i32
    %dma_wait3A_112 = tpu.memref_slice %arg2[%dma_wait3A_110, %dma_wait3A_111] : memref<20000x64xf32, #tpu.memory_space<hbm>> -> memref<128x64xf32, #tpu.memory_space<hbm>>
    tpu.wait_dma2 semaphore(%arg15 : memref<!tpu.dma_semaphore, #tpu.memory_space<semaphore_mem>>) src(%dma_wait3A_112 : memref<128x64xf32, #tpu.memory_space<hbm>>) dst(%dma_wait3A_109 : memref<128x64xf32, #tpu.memory_space<vmem>>)
    %dma_wait3A_113 = arith.constant 3 : i32
    %dma_wait3A_114 = arith.constant 0 : i32
    %dma_wait3A_115 = arith.constant 0 : i32
    %dma_wait3A_116 = tpu.memref_slice %arg6[%dma_wait3A_113, %dma_wait3A_114, %dma_wait3A_115] : memref<4x128x64xf32, #tpu.memory_space<vmem>> -> memref<1x128x64xf32, #tpu.memory_space<vmem>>
    %dma_wait3A_117 = tpu.memref_squeeze %dma_wait3A_116 : memref<1x128x64xf32, #tpu.memory_space<vmem>> -> memref<128x64xf32, #tpu.memory_space<vmem>>
    %dma_wait3A_118 = arith.constant 0 : i32
    %dma_wait3A_119 = arith.constant 0 : i32
    %dma_wait3A_120 = tpu.memref_slice %arg2[%dma_wait3A_118, %dma_wait3A_119] : memref<20000x64xf32, #tpu.memory_space<hbm>> -> memref<128x64xf32, #tpu.memory_space<hbm>>
    %dma_wait3A_121 = arith.constant 0 : i32
    %dma_wait3A_122 = arith.constant 0 : i32
    %dma_wait3A_123 = tpu.memref_slice %arg6[%dma_wait3A_113, %dma_wait3A_121, %dma_wait3A_122] : memref<4x128x64xf32, #tpu.memory_space<vmem>> -> memref<1x128x64xf32, #tpu.memory_space<vmem>>
    %dma_wait3A_124 = tpu.memref_squeeze %dma_wait3A_123 : memref<1x128x64xf32, #tpu.memory_space<vmem>> -> memref<128x64xf32, #tpu.memory_space<vmem>>
    %dma_wait3A_125 = arith.constant 0 : i32
    %dma_wait3A_126 = arith.constant 0 : i32
    %dma_wait3A_127 = tpu.memref_slice %arg2[%dma_wait3A_125, %dma_wait3A_126] : memref<20000x64xf32, #tpu.memory_space<hbm>> -> memref<128x64xf32, #tpu.memory_space<hbm>>
    tpu.wait_dma2 semaphore(%arg16 : memref<!tpu.dma_semaphore, #tpu.memory_space<semaphore_mem>>) src(%dma_wait3A_127 : memref<128x64xf32, #tpu.memory_space<hbm>>) dst(%dma_wait3A_124 : memref<128x64xf32, #tpu.memory_space<vmem>>)
    %lt3A_128 = arith.constant 4 : i32
    %lt3A_129 = arith.cmpi slt, %arg1, %lt3A_128 : i32
    %convert_element_type3A_130 = arith.extui %lt3A_129 : i1 to i32
    %cond3A_131 = arith.constant 0 : i32
    %cond3A_132 = arith.cmpi ne, %convert_element_type3A_130, %cond3A_131 : i32
    scf.if %cond3A_132 {
      %scan3A_139 = arith.constant 0 : i32
      %scan3A_140 = arith.constant 0 : i32
      %scan3A_141 = arith.constant 8 : i32
      %scan3A_142 = arith.addi %scan3A_140, %scan3A_141 : i32
      %scan3A_143 = arith.constant 1 : i32
      %scan3A_144 = scf.for %scan3A_202 = %scan3A_140 to %scan3A_142 step %scan3A_143 iter_args(%scan3A_203 = %scan3A_139) -> (i32)  : i32 {
        %mul3A_204 = arith.constant 16 : i32
        %mul3A_205 = arith.muli %scan3A_202, %mul3A_204 : i32
        %get3A = arith.constant 156 : i32
        %get3A_206 = arith.constant 0 : i32
        %get3A_207 = arith.index_cast %get3A : i32 to index
        %get3A_208 = arith.index_cast %get3A_206 : i32 to index
        %get3A_209 = arith.index_cast %mul3A_205 : i32 to index
        %get3A_210 = tpu.vector_load %arg5[%get3A_207, %get3A_208, %get3A_209] {strides = array<i32>} : memref<157x2x128xi32, #tpu.memory_space<vmem>>, vector<1x1x16xi32>,
        %get3A_211 = vector.shape_cast %get3A_210 : vector<1x1x16xi32> to vector<16xi32>
        %mul3A_212 = arith.constant 2 : i32
        %mul3A_213 = vector.broadcast %mul3A_212 : i32 to vector<16xi32>
        %mul3A_214 = arith.muli %mul3A_213, %get3A_211 : vector<16xi32>
        %add3A = vector.broadcast %arg0 : i32 to vector<16xi32>
        %add3A_215 = arith.addi %mul3A_214, %add3A : vector<16xi32>
        %swap3A = arith.constant 156 : i32
        %swap3A_216 = arith.constant 0 : i32
        %swap3A_217 = arith.index_cast %swap3A : i32 to index
        %swap3A_218 = arith.index_cast %swap3A_216 : i32 to index
        %swap3A_219 = arith.index_cast %mul3A_205 : i32 to index
        %swap3A_220 = tpu.vector_load %arg5[%swap3A_217, %swap3A_218, %swap3A_219] {strides = array<i32>} : memref<157x2x128xi32, #tpu.memory_space<vmem>>, vector<1x1x16xi32>,
        %swap3A_221 = vector.shape_cast %swap3A_220 : vector<1x1x16xi32> to vector<16xi32>
        %swap3A_222 = vector.shape_cast %add3A_215 : vector<16xi32> to vector<1x1x16xi32>
        tpu.vector_store %arg5[%swap3A_217, %swap3A_218, %swap3A_219], %swap3A_222 {strides = array<i32>} : memref<157x2x128xi32, #tpu.memory_space<vmem>>, vector<1x1x16xi32>,
        %scan3A_223 = arith.constant 0 : i32
        scf.yield %scan3A_223 : i32
      }
      %scan3A_145 = arith.constant 8 : i32
      %dma_start3A_146 = arith.constant 156 : i32
      %dma_start3A_147 = arith.constant 0 : i32
      %dma_start3A_148 = arith.constant 0 : i32
      %dma_start3A_149 = arith.constant 0 : i32
      %dma_start3A_150 = arith.constant 0 : i32
      %dma_start3A_151 = tpu.memref_slice %arg6[%dma_start3A_148, %dma_start3A_149, %dma_start3A_150] : memref<4x128x64xf32, #tpu.memory_space<vmem>> -> memref<1x128x64xf32, #tpu.memory_space<vmem>>
      %dma_start3A_152 = tpu.memref_squeeze %dma_start3A_151 : memref<1x128x64xf32, #tpu.memory_space<vmem>> -> memref<128x64xf32, #tpu.memory_space<vmem>>
      %dma_start3A_153 = arith.constant 0 : i32
      %dma_start3A_154 = tpu.memref_slice %arg5[%dma_start3A_146, %dma_start3A_147, %dma_start3A_153] : memref<157x2x128xi32, #tpu.memory_space<vmem>> -> memref<1x1x128xi32, #tpu.memory_space<vmem>>
      %dma_start3A_155 = tpu.memref_squeeze %dma_start3A_154 : memref<1x1x128xi32, #tpu.memory_space<vmem>> -> memref<128xi32, #tpu.memory_space<vmem>>
      %dma_start3A_156 = arith.constant 0 : i32
      %dma_start3A_157 = arith.constant 0 : i32
      %dma_start3A_158 = tpu.memref_slice %arg2[%dma_start3A_156, %dma_start3A_157] : memref<20000x64xf32, #tpu.memory_space<hbm>> -> memref<20000x64xf32, #tpu.memory_space<hbm>>
      tpu.enqueue_indirect_dma source(%dma_start3A_158 : memref<20000x64xf32, #tpu.memory_space<hbm>>) target(%dma_start3A_152 : memref<128x64xf32, #tpu.memory_space<vmem>>) offsets(%dma_start3A_155 : memref<128xi32, #tpu.memory_space<vmem>>) semaphore(%arg9 : memref<!tpu.dma_semaphore, #tpu.memory_space<semaphore_mem>>)
      %dma_wait3A_159 = arith.constant 0 : i32
      %dma_wait3A_160 = arith.constant 0 : i32
      %dma_wait3A_161 = arith.constant 0 : i32
      %dma_wait3A_162 = tpu.memref_slice %arg6[%dma_wait3A_159, %dma_wait3A_160, %dma_wait3A_161] : memref<4x128x64xf32, #tpu.memory_space<vmem>> -> memref<1x128x64xf32, #tpu.memory_space<vmem>>
      %dma_wait3A_163 = tpu.memref_squeeze %dma_wait3A_162 : memref<1x128x64xf32, #tpu.memory_space<vmem>> -> memref<128x64xf32, #tpu.memory_space<vmem>>
      %dma_wait3A_164 = arith.constant 0 : i32
      %dma_wait3A_165 = arith.constant 0 : i32
      %dma_wait3A_166 = tpu.memref_slice %arg2[%dma_wait3A_164, %dma_wait3A_165] : memref<20000x64xf32, #tpu.memory_space<hbm>> -> memref<128x64xf32, #tpu.memory_space<hbm>>
      %dma_wait3A_167 = arith.constant 0 : i32
      %dma_wait3A_168 = arith.constant 0 : i32
      %dma_wait3A_169 = tpu.memref_slice %arg6[%dma_wait3A_159, %dma_wait3A_167, %dma_wait3A_168] : memref<4x128x64xf32, #tpu.memory_space<vmem>> -> memref<1x128x64xf32, #tpu.memory_space<vmem>>
      %dma_wait3A_170 = tpu.memref_squeeze %dma_wait3A_169 : memref<1x128x64xf32, #tpu.memory_space<vmem>> -> memref<128x64xf32, #tpu.memory_space<vmem>>
      %dma_wait3A_171 = arith.constant 0 : i32
      %dma_wait3A_172 = arith.constant 0 : i32
      %dma_wait3A_173 = tpu.memref_slice %arg2[%dma_wait3A_171, %dma_wait3A_172] : memref<20000x64xf32, #tpu.memory_space<hbm>> -> memref<128x64xf32, #tpu.memory_space<hbm>>
      tpu.wait_dma2 semaphore(%arg9 : memref<!tpu.dma_semaphore, #tpu.memory_space<semaphore_mem>>) src(%dma_wait3A_173 : memref<128x64xf32, #tpu.memory_space<hbm>>) dst(%dma_wait3A_170 : memref<128x64xf32, #tpu.memory_space<vmem>>)
      %dma_start3A_174 = arith.constant 0 : i32
      %dma_start3A_175 = arith.constant 156 : i32
      %dma_start3A_176 = arith.constant 1 : i32
      %dma_start3A_177 = arith.constant 0 : i32
      %dma_start3A_178 = arith.constant 0 : i32
      %dma_start3A_179 = tpu.memref_slice %arg6[%dma_start3A_174, %dma_start3A_177, %dma_start3A_178] : memref<4x128x64xf32, #tpu.memory_space<vmem>> -> memref<1x128x64xf32, #tpu.memory_space<vmem>>
      %dma_start3A_180 = tpu.memref_squeeze %dma_start3A_179 : memref<1x128x64xf32, #tpu.memory_space<vmem>> -> memref<128x64xf32, #tpu.memory_space<vmem>>
      %dma_start3A_181 = arith.constant 0 : i32
      %dma_start3A_182 = tpu.memref_slice %arg5[%dma_start3A_175, %dma_start3A_176, %dma_start3A_181] : memref<157x2x128xi32, #tpu.memory_space<vmem>> -> memref<1x1x128xi32, #tpu.memory_space<vmem>>
      %dma_start3A_183 = tpu.memref_squeeze %dma_start3A_182 : memref<1x1x128xi32, #tpu.memory_space<vmem>> -> memref<128xi32, #tpu.memory_space<vmem>>
      %dma_start3A_184 = arith.constant 0 : i32
      %dma_start3A_185 = arith.constant 0 : i32
      %dma_start3A_186 = tpu.memref_slice %arg8[%dma_start3A_184, %dma_start3A_185] : memref<10000x64xf32, #tpu.memory_space<vmem_shared>> -> memref<10000x64xf32, #tpu.memory_space<vmem_shared>>
      tpu.enqueue_indirect_dma source(%dma_start3A_180 : memref<128x64xf32, #tpu.memory_space<vmem>>) target(%dma_start3A_186 : memref<10000x64xf32, #tpu.memory_space<vmem_shared>>) offsets(%dma_start3A_183 : memref<128xi32, #tpu.memory_space<vmem>>) semaphore(%arg13 : memref<!tpu.dma_semaphore, #tpu.memory_space<semaphore_mem>>) {add = true}
      %dma_wait3A_187 = arith.constant 0 : i32
      %dma_wait3A_188 = arith.constant 0 : i32
      %dma_wait3A_189 = arith.constant 0 : i32
      %dma_wait3A_190 = tpu.memref_slice %arg6[%dma_wait3A_187, %dma_wait3A_188, %dma_wait3A_189] : memref<4x128x64xf32, #tpu.memory_space<vmem>> -> memref<1x128x64xf32, #tpu.memory_space<vmem>>
      %dma_wait3A_191 = tpu.memref_squeeze %dma_wait3A_190 : memref<1x128x64xf32, #tpu.memory_space<vmem>> -> memref<128x64xf32, #tpu.memory_space<vmem>>
      %dma_wait3A_192 = arith.constant 0 : i32
      %dma_wait3A_193 = arith.constant 0 : i32
      %dma_wait3A_194 = tpu.memref_slice %arg2[%dma_wait3A_192, %dma_wait3A_193] : memref<20000x64xf32, #tpu.memory_space<hbm>> -> memref<128x64xf32, #tpu.memory_space<hbm>>
      %dma_wait3A_195 = arith.constant 0 : i32
      %dma_wait3A_196 = arith.constant 0 : i32
      %dma_wait3A_197 = tpu.memref_slice %arg6[%dma_wait3A_187, %dma_wait3A_195, %dma_wait3A_196] : memref<4x128x64xf32, #tpu.memory_space<vmem>> -> memref<1x128x64xf32, #tpu.memory_space<vmem>>
      %dma_wait3A_198 = tpu.memref_squeeze %dma_wait3A_197 : memref<1x128x64xf32, #tpu.memory_space<vmem>> -> memref<128x64xf32, #tpu.memory_space<vmem>>
      %dma_wait3A_199 = arith.constant 0 : i32
      %dma_wait3A_200 = arith.constant 0 : i32
      %dma_wait3A_201 = tpu.memref_slice %arg2[%dma_wait3A_199, %dma_wait3A_200] : memref<20000x64xf32, #tpu.memory_space<hbm>> -> memref<128x64xf32, #tpu.memory_space<hbm>>
      tpu.wait_dma2 semaphore(%arg13 : memref<!tpu.dma_semaphore, #tpu.memory_space<semaphore_mem>>) src(%dma_wait3A_201 : memref<128x64xf32, #tpu.memory_space<hbm>>) dst(%dma_wait3A_198 : memref<128x64xf32, #tpu.memory_space<vmem>>)
    } else {
    }
    %barrier3A_133 = arith.constant 0 : index
    tpu.barrier barrier_id(%barrier3A_133)
    %lt3A_134 = arith.constant 10 : i32
    %lt3A_135 = arith.cmpi slt, %arg1, %lt3A_134 : i32
    %convert_element_type3A_136 = arith.extui %lt3A_135 : i1 to i32
    %cond3A_137 = arith.constant 0 : i32
    %cond3A_138 = arith.cmpi ne, %convert_element_type3A_136, %cond3A_137 : i32
    scf.if %cond3A_138 {
      %mul3A_139 = arith.constant 64 : i32
      %mul3A_140 = arith.muli %arg0, %mul3A_139 : i32
      "tpu.region"() ({
        %run_scoped3A = tpu.sem_alloc : memref<!tpu.dma_semaphore, #tpu.memory_space<semaphore_mem>>
        %dma_start3A_141 = tpu.memref_slice %arg4[%mul3A_56, %mul3A_140] : memref<10000x128xf32, #tpu.memory_space<hbm>> -> memref<1000x64xf32, #tpu.memory_space<hbm>>
        %dma_start3A_142 = arith.constant 0 : i32
        %dma_start3A_143 = tpu.memref_slice %arg8[%mul3A_56, %dma_start3A_142] : memref<10000x64xf32, #tpu.memory_space<vmem_shared>> -> memref<1000x64xf32, #tpu.memory_space<vmem_shared>>
        tpu.enqueue_dma source(%dma_start3A_143 : memref<1000x64xf32, #tpu.memory_space<vmem_shared>>) target(%dma_start3A_141 : memref<1000x64xf32, #tpu.memory_space<hbm>>) target_semaphore(%run_scoped3A : memref<!tpu.dma_semaphore, #tpu.memory_space<semaphore_mem>>)
        %dma_wait3A_144 = tpu.memref_slice %arg4[%mul3A_56, %mul3A_140] : memref<10000x128xf32, #tpu.memory_space<hbm>> -> memref<1000x64xf32, #tpu.memory_space<hbm>>
        %dma_wait3A_145 = arith.constant 0 : i32
        %dma_wait3A_146 = tpu.memref_slice %arg8[%mul3A_56, %dma_wait3A_145] : memref<10000x64xf32, #tpu.memory_space<vmem_shared>> -> memref<1000x64xf32, #tpu.memory_space<vmem_shared>>
        tpu.wait_dma2 semaphore(%run_scoped3A : memref<!tpu.dma_semaphore, #tpu.memory_space<semaphore_mem>>) src(%dma_wait3A_146 : memref<1000x64xf32, #tpu.memory_space<vmem_shared>>) dst(%dma_wait3A_144 : memref<1000x64xf32, #tpu.memory_space<hbm>>)
        tpu.yield
      }) : () -> ()
    } else {
    }
    return
  }
}

module attributes {stable_mosaic.version = 14 : i64} {
  func.func @_tc_mlp_block(%arg0: i32, %arg1: memref<1x1xf32, #tpu.memory_space<smem>>, %arg2: memref<2000x128xf32, #tpu.memory_space<vmem>>, %arg3: memref<2000x128xf32, #tpu.memory_space<vmem>>, %arg4: memref<128x128xf32, #tpu.memory_space<vmem>>, %arg5: memref<1x128xf32, #tpu.memory_space<vmem>>, %arg6: memref<128x128xf32, #tpu.memory_space<vmem>>, %arg7: memref<1x128xf32, #tpu.memory_space<vmem>>, %arg8: memref<2000x128xf32, #tpu.memory_space<vmem>>) attributes {dimension_semantics = [#tpu.dimension_semantics<arbitrary>], iteration_bounds = array<i64: 5>, scalar_prefetch = 0 : i64, scratch_operands = 0 : i64, tpu.core_type = #tpu.core_type<tc>, window_params = [{transform_indices = @transform_0, window_bounds = array<i64: 1, 1>}, {transform_indices = @transform_1, window_bounds = array<i64: 2000, 128>}, {transform_indices = @transform_2, window_bounds = array<i64: 2000, 128>}, {pipeline_mode = #tpu.pipeline_mode<synchronous>, transform_indices = @transform_3, window_bounds = array<i64: 128, 128>}, {pipeline_mode = #tpu.pipeline_mode<synchronous>, transform_indices = @transform_4, window_bounds = array<i64: 1, 128>}, {pipeline_mode = #tpu.pipeline_mode<synchronous>, transform_indices = @transform_5, window_bounds = array<i64: 128, 128>}, {pipeline_mode = #tpu.pipeline_mode<synchronous>, transform_indices = @transform_6, window_bounds = array<i64: 1, 128>}, {transform_indices = @transform_7, window_bounds = array<i64: 2000, 128>}]} {
    %get3A = arith.constant 0 : index
    %get3A_0 = arith.constant 0 : index
    %get3A_1 = memref.load %arg1[%get3A, %get3A_0] : memref<1x1xf32, #tpu.memory_space<smem>>
    %get3A_2 = arith.constant 0 : index
    %get3A_3 = arith.constant 0 : index
    %get3A_4 = vector.load %arg2[%get3A_2, %get3A_3] : memref<2000x128xf32, #tpu.memory_space<vmem>>, vector<2000x128xf32>
    %mul3A = vector.broadcast %get3A_1 : f32 to vector<2000x128xf32>
    %mul3A_5 = arith.mulf %mul3A, %get3A_4 : vector<2000x128xf32>
    %get3A_6 = arith.constant 0 : index
    %get3A_7 = arith.constant 0 : index
    %get3A_8 = vector.load %arg3[%get3A_6, %get3A_7] : memref<2000x128xf32, #tpu.memory_space<vmem>>, vector<2000x128xf32>
    %add3A = arith.addf %mul3A_5, %get3A_8 : vector<2000x128xf32>
    %get3A_9 = arith.constant 0 : index
    %get3A_10 = arith.constant 0 : index
    %get3A_11 = vector.load %arg4[%get3A_9, %get3A_10] : memref<128x128xf32, #tpu.memory_space<vmem>>, vector<128x128xf32>
    %dot_general3A = arith.constant dense<0.000000e+00> : vector<2000x128xf32>
    %dot_general3A_12 = tpu.matmul %add3A, %get3A_11, %dot_general3A {dimension_numbers = #tpu.dot_dimension_numbers<[1], [0], [0], [1], [0, 0, 1, 1], [], []>, transpose_lhs_hint = false} : vector<2000x128xf32>, vector<128x128xf32>, vector<2000x128xf32> -> vector<2000x128xf32>
    %get3A_13 = arith.constant 0 : index
    %get3A_14 = arith.constant 0 : index
    %get3A_15 = vector.load %arg5[%get3A_13, %get3A_14] : memref<1x128xf32, #tpu.memory_space<vmem>>, vector<1x128xf32>
    %add3A_16 = vector.broadcast %get3A_15 : vector<1x128xf32> to vector<2000x128xf32>
    %add3A_17 = arith.addf %dot_general3A_12, %add3A_16 : vector<2000x128xf32>
    %max3A = arith.constant 0.000000e+00 : f32
    %max3A_18 = vector.broadcast %max3A : f32 to vector<2000x128xf32>
    %max3A_19 = arith.maximumf %add3A_17, %max3A_18 : vector<2000x128xf32>
    %get3A_20 = arith.constant 0 : index
    %get3A_21 = arith.constant 0 : index
    %get3A_22 = vector.load %arg6[%get3A_20, %get3A_21] : memref<128x128xf32, #tpu.memory_space<vmem>>, vector<128x128xf32>
    %dot_general3A_23 = arith.constant dense<0.000000e+00> : vector<2000x128xf32>
    %dot_general3A_24 = tpu.matmul %max3A_19, %get3A_22, %dot_general3A_23 {dimension_numbers = #tpu.dot_dimension_numbers<[1], [0], [0], [1], [0, 0, 1, 1], [], []>, transpose_lhs_hint = false} : vector<2000x128xf32>, vector<128x128xf32>, vector<2000x128xf32> -> vector<2000x128xf32>
    %get3A_25 = arith.constant 0 : index
    %get3A_26 = arith.constant 0 : index
    %get3A_27 = vector.load %arg7[%get3A_25, %get3A_26] : memref<1x128xf32, #tpu.memory_space<vmem>>, vector<1x128xf32>
    %add3A_28 = vector.broadcast %get3A_27 : vector<1x128xf32> to vector<2000x128xf32>
    %add3A_29 = arith.addf %dot_general3A_24, %add3A_28 : vector<2000x128xf32>
    %swap3A = arith.constant 0 : index
    %swap3A_30 = arith.constant 0 : index
    %swap3A_31 = vector.load %arg8[%swap3A, %swap3A_30] : memref<2000x128xf32, #tpu.memory_space<vmem>>, vector<2000x128xf32>
    tpu.vector_store %arg8[%swap3A, %swap3A_30], %add3A_29 {strides = array<i32>} : memref<2000x128xf32, #tpu.memory_space<vmem>>, vector<2000x128xf32>,
    return
  }
  func.func @transform_0(%arg0: i32) -> (i32, i32) {
    %c0_i32 = arith.constant 0 : i32
    %c0_i32_0 = arith.constant 0 : i32
    %c0_i32_1 = arith.constant 0 : i32
    return %c0_i32, %c0_i32_0 : i32, i32
  }
  func.func @transform_1(%arg0: i32) -> (i32, i32) {
    %c0_i32 = arith.constant 0 : i32
    %c0_i32_0 = arith.constant 0 : i32
    return %arg0, %c0_i32 : i32, i32
  }
  func.func @transform_2(%arg0: i32) -> (i32, i32) {
    %c0_i32 = arith.constant 0 : i32
    %c0_i32_0 = arith.constant 0 : i32
    return %arg0, %c0_i32 : i32, i32
  }
  func.func @transform_3(%arg0: i32) -> (i32, i32) {
    %c0_i32 = arith.constant 0 : i32
    %c0_i32_0 = arith.constant 0 : i32
    %c0_i32_1 = arith.constant 0 : i32
    return %c0_i32, %c0_i32_0 : i32, i32
  }
  func.func @transform_4(%arg0: i32) -> (i32, i32) {
    %c0_i32 = arith.constant 0 : i32
    %c0_i32_0 = arith.constant 0 : i32
    %c0_i32_1 = arith.constant 0 : i32
    return %c0_i32, %c0_i32_0 : i32, i32
  }
  func.func @transform_5(%arg0: i32) -> (i32, i32) {
    %c0_i32 = arith.constant 0 : i32
    %c0_i32_0 = arith.constant 0 : i32
    %c0_i32_1 = arith.constant 0 : i32
    return %c0_i32, %c0_i32_0 : i32, i32
  }
  func.func @transform_6(%arg0: i32) -> (i32, i32) {
    %c0_i32 = arith.constant 0 : i32
    %c0_i32_0 = arith.constant 0 : i32
    %c0_i32_1 = arith.constant 0 : i32
    return %c0_i32, %c0_i32_0 : i32, i32
  }
  func.func @transform_7(%arg0: i32) -> (i32, i32) {
    %c0_i32 = arith.constant 0 : i32
    %c0_i32_0 = arith.constant 0 : i32
    return %arg0, %c0_i32 : i32, i32
  }
}

</mosaic_0001>

<sc_bundles>
// kernel: kernel.4.cloned.1.call-start
scs
__scs_entry_jumppad:
0x0: {  	(pc) =	sbr.rel $0x88, $3  }
0x1: {  	(tag) =	ssettag $0x0;
	lr =	simm.s32 $0x1  }
0x2: {  	[smem:$0x3F9A] =	sst lr;
	_ =	strace $0xD0000000  }
0x3: {  	_ = 	snop  }
0x4: {  	_ = 	snop  }
0x5: {  	_ = 	snop  }
0x6: {  	_ = 	snop  }
0x7: {  	_ = 	snop  }
__scs_overlays_trampoline_lowered:
0x8: {  	[smem:$0x3FA9] =	sst s0  }
0x9: {  	[smem:$0x3FAA] =	sst s1  }
0xa: {  	[smem:$0x3FAB] =	sst s2  }
0xb: {  	[smem:$0x3FAC] =	sst s3  }
0xc: {  	[smem:$0x3FAD] =	sst s4  }
0xd: {  	[smem:$0x3FAE] =	sst s5  }
0xe: {  	[smem:$0x3FAF] =	sst s6  }
0xf: {  	[smem:$0x3FB0] =	sst s7  }
0x10: {  	[smem:$0x3FB1] =	sst s8  }
0x11: {  	[smem:$0x3FB2] =	sst s9;
	s0 =	simm.s32 @!p0 $0x0  }
0x12: {  	s1 =	sld [smem:$0x3F98];
	s0 =	simm.s32 @p0 $0x1  }
0x13: {  	[smem:$0x3FB3] =	sst s0;
	s0 =	simm.s32 @!p1 $0x0  }
0x14: {  	s2 =	sld [smem:$0x3F97];
	s0 =	simm.s32 @p1 $0x1  }
0x15: {  	[smem:$0x3FB4] =	sst s0;
	s0 =	simm.s32 @!p2 $0x0  }
0x16: {  	s3 =	sld [smem:$0x3FDB];
	s0 =	simm.s32 @p2 $0x1  }
0x17: {  	s4 =	simm.s32 $0x1BF5;
	[smem:$0x3FB6] =	sst s0  }
0x18: {  	s0 =	sld [smem:$0x3F99];
	_ =	swait.ge [sflag:s4], $0x0  }
0x19: {  	s7 =	sld [smem:$0x3F9A]  }
0x1a: {  	s8 =	sadd.s32 $0xFFFFE003, lr  }
0x1b: {  	s9 =	sadd.s32 $0xFFFFFEF7, lr;
	s5 =	simm.s32 $0xFFFFFFFF;
	p2 =	slt.u32 s8, $0xFFFFF086  }
0x1c: {  	p1 =	slt.u32 s9, $0xF7A;
	s5 =	simm.s32 @!p2 $0x0  }
0x1d: {  	s5 =	simm.s32 @p1 $0x1;
	p0 =	seq.s32 s7, s2  }
0x1e: {  	s7 =	smul.u32 @!p0 $0xF7A, s2;
	p2 =	seq.s32 @!p0 s5, $0x0  }
0x1f: {  	s9 =	smul.u32 $0xF7A, s1;
	s8 =	simm.s32 @!p0 $0x1BF5;
	p2 =	por !p2, p0  }
0x20: {  	[sflag:s8] =	ssyncset.s32 @!p0 $0xFFFFF086;
	s6 =	sadd.s32 @!p0 s3, s7;
	s7 =	simm.s32 @!p0 $0x108  }
0x21: {  	s3 =	sadd.s32 s3, s9;
	s6 =	sadd.s32 @!p0 $0x88, s6;
	s7 =	simm.s32 @p2 $0x1082  }
0x22: {  	[simem:s7], [sflag:s8] =	dma.local @!p0 [hbm:s6], $0xF7A  }
0x23: {  	s9 =	sor.u32 $0xD0000000, s2;
	s6 =	simm.s32 $0x108;
	_ =	swait.ge @!p0 [sflag:s8], $0x0  }
0x24: {  	s3 =	sadd.s32 $0x88, s3;
	s6 =	simm.s32 @!p1 $0x1082;
	[sflag:s4] =	ssyncset.s32 $0xFFFFF086  }
0x25: {  	[simem:s6], [sflag:s4] =	dma.local [hbm:s3], $0xF7A  }
0x26: {  	[smem:$0x3F9A] =	sst s1;
	(tag) =	ssettag s2;
	_ =	strace s9  }
0x27: {  	s1 =	sld [smem:$0x3FAA]  }
0x28: {  	s2 =	sld [smem:$0x3FAB]  }
0x29: {  	s4 =	sld [smem:$0x3FAD]  }
0x2a: {  	p0 =	seq.s32 s5, $0x0;
	s5 =	sld [smem:$0x3FAE]  }
0x2b: {  	s6 =	sld [smem:$0x3FAF]  }
0x2c: {  	s7 =	sld [smem:$0x3FB0]  }
0x2d: {  	s3 =	simm.s32 $0x108;
	s8 =	sld [smem:$0x3FB1]  }
0x2e: {  	s3 =	simm.s32 @!p0 $0x1082;
	s9 =	sld [smem:$0x3FB2]  }
0x2f: {  	lr =	sadd.s32 s0, s3;
	s0 =	sld [smem:$0x3FA9]  }
0x30: {  	s3 =	sld [smem:$0x3FAC]  }
0x31: {  	[smem:$0x3FB5] =	sst s10  }
0x32: {  	s10 =	sld [smem:$0x3FB3];
	_ =	sdelay $0x3  }
0x33: {  	p0 =	seq.s32 s10, $0x1;
	s10 =	sld [smem:$0x3FB5];
	_ =	sdelay $0x3  }
0x34: {  	[smem:$0x3FB5] =	sst s10  }
0x35: {  	s10 =	sld [smem:$0x3FB4];
	_ =	sdelay $0x3  }
0x36: {  	p1 =	seq.s32 s10, $0x1;
	s10 =	sld [smem:$0x3FB5];
	_ =	sdelay $0x3  }
0x37: {  	[smem:$0x3FB5] =	sst s10  }
0x38: {  	s10 =	sld [smem:$0x3FB6]  }
0x39: {  	_ = 	snop;
	(pc) =	sbr.ind lr, $3  }
0x3a: {  	_ = 	snop  }
0x3b: {  	_ = 	snop  }
0x3c: {  	p2 =	seq.s32 s10, $0x1;
	s10 =	sld [smem:$0x3FB5]  }
0x3d: {  	_ =	shalt  }
0x3e: {  	_ =	shalt  }
0x3f: {  	_ =	shalt  }
0x40: {  	_ =	shalt  }
0x41: {  	_ =	shalt  }
0x42: {  	_ =	shalt  }
0x43: {  	_ =	shalt  }
0x44: {  	_ =	shalt  }
0x45: {  	_ =	shalt  }
0x46: {  	_ =	shalt  }
0x47: {  	_ =	shalt  }
0x48: {  	_ =	shalt  }
0x49: {  	_ =	shalt  }
0x4a: {  	_ =	shalt  }
0x4b: {  	_ =	shalt  }
0x4c: {  	_ =	shalt  }
0x4d: {  	_ =	shalt  }
0x4e: {  	_ =	shalt  }
0x4f: {  	_ =	shalt  }
0x50: {  	_ =	shalt  }
0x51: {  	_ =	shalt  }
0x52: {  	_ =	shalt  }
0x53: {  	_ =	shalt  }
0x54: {  	_ =	shalt  }
0x55: {  	_ =	shalt  }
0x56: {  	_ =	shalt  }
0x57: {  	_ =	shalt  }
0x58: {  	_ =	shalt  }
0x59: {  	_ =	shalt  }
0x5a: {  	_ =	shalt  }
0x5b: {  	_ =	shalt  }
0x5c: {  	_ =	shalt  }
0x5d: {  	_ =	shalt  }
0x5e: {  	_ =	shalt  }
0x5f: {  	_ =	shalt  }
0x60: {  	_ =	shalt  }
0x61: {  	_ =	shalt  }
0x62: {  	_ =	shalt  }
0x63: {  	_ =	shalt  }
0x64: {  	_ =	shalt  }
0x65: {  	_ =	shalt  }
0x66: {  	_ =	shalt  }
0x67: {  	_ =	shalt  }
0x68: {  	_ =	shalt  }
0x69: {  	_ =	shalt  }
0x6a: {  	_ =	shalt  }
0x6b: {  	_ =	shalt  }
0x6c: {  	_ =	shalt  }
0x6d: {  	_ =	shalt  }
0x6e: {  	_ =	shalt  }
0x6f: {  	_ =	shalt  }
0x70: {  	_ =	shalt  }
0x71: {  	_ =	shalt  }
0x72: {  	_ =	shalt  }
0x73: {  	_ =	shalt  }
0x74: {  	_ =	shalt  }
0x75: {  	_ =	shalt  }
0x76: {  	_ =	shalt  }
0x77: {  	_ =	shalt  }
0x78: {  	_ =	shalt  }
0x79: {  	_ =	shalt  }
0x7a: {  	_ =	shalt  }
0x7b: {  	_ =	shalt  }
0x7c: {  	_ =	shalt  }
0x7d: {  	_ =	shalt  }
0x7e: {  	_ =	shalt  }
0x7f: {  	_ =	shalt  }
0x80: {  	_ =	shalt  }
0x81: {  	_ =	shalt  }
0x82: {  	_ =	shalt  }
0x83: {  	_ =	shalt  }
0x84: {  	_ =	shalt  }
0x85: {  	_ =	shalt  }
0x86: {  	_ =	shalt  }
0x87: {  	_ =	shalt  }
.Lfunc_end0:
.L_simem_size_0:
called_computation_lowered:
.L_overlay_start_0:
0x88: {  	s2 =	sld [smem:$0x3FD9]  }
0x89: {  	s3 =	sld [smem:$0x3FFE];
	_ =	sdelay $0x1  }
0x8a: {  	s1 =	srdreg.scid  }
0x8b: {  	s0 =	sand.u32 $0x1, s1  }
0x8c: {  	s18 =	sshll.u32 s0, $0xA;
	s2 =	sadd.s32 s3, s2  }
0x8d: {  	s2 =	sadd.s32 s2, s18  }
0x8e: {  	[smem:$0x3FC1] =	sst s2  }
0x8f: {  	_ = 	snop  }
0x90: {  	s2 =	sld [smem:$0x3FC9]  }
0x91: {  	s19 =	sld [smem:$0x3FC8]  }
0x92: {  	s4 =	sld [smem:$0x3FD0];
	(tm) =	ssettm $0x1  }
0x93: {  	s5 =	sld [smem:$0x3FFB];
	_ =	sdelay $0x3  }
0x94: {  	_ =	strace s5  }
0x95: {  	s5 =	sld [smem:$0x3FFC];
	_ =	sdelay $0x3  }
0x96: {  	_ =	strace s5  }
0x97: {  	s5 =	sld [smem:$0x3FFD];
	_ =	sdelay $0x3  }
0x98: {  	_ =	strace s5  }
0x99: {  	_ =	strace $0x8FFFFFFF  }
0x9a: {  	s20 =	sld [smem:$0x3FDB];
	_ =	sdelay $0x1  }
0x9b: {  	s6 =	simm.s32 $_scs_section_size  }
0x9c: {  	s7 =	simm.s32 $_size__tile_overlayer_lowered;
	s8 =	simm.s32 $_tile_overlayer_lowered  }
0x9d: {  	s23 =	simm.s32 $0x1BFF;
	s22 =	sshll.u32 s8, $0x1;
	s5 =	sadd.s32 s6, s20  }
0x9e: {  	s9 =	simm.s32 $0x0;
	s21 =	sshll.u32 s7, $0x1;
	s7 =	sadd.s32 s22, s5  }
0x9f: {  	[timem:s9], [sflag:s23] =	dma.local [hbm:s7], s21  }
0xa0: {  	_ =	swait.ge [sflag:s23], s21  }
0xa1: {  	s6 =	ssub.s32 $0x0, s21;
	[sflag:s23] =	ssyncset.done $0x0  }
0xa2: {  	[sflag:s23] =	ssyncadd.s32 s6;
	_ =	sdelay $0x1  }
0xa3: {  	s24 =	simm.s32 $0x1B8B  }
0xa4: {  	_ =	swait.ge [sflag:s24], $0x1  }
0xa5: {  	[sflag:s24] =	ssyncset.done $0x0  }
0xa6: {  	s25 =	simm.s32 $0x1B8E;
	[sflag:s24] =	ssyncadd.s32 $0xFFFFFFFF  }
0xa7: {  	s26 =	simm.s32 $execute0_lowered;
	[smem:$0x3FD2] =	sst s25  }
0xa8: {  	s6 =	sshll.u32 s26, $0x1;
	_ =	strace $0x80000046;
	[dreg:$0x1] =	wrdreg $0xFFFFFFFF  }
0xa9: {  	s28 =	simm.s32 $_size_execute0_lowered;
	s5 =	sadd.s32 s5, s6;
	[dreg:$0x0] =	wrdreg $0x0  }
0xaa: {  	s6 =	sshll.u32 s28, $0x1;
	[dreg:$0x2] =	wrdreg s5  }
0xab: {  	[dreg:$0x3] =	wrdreg s6  }
0xac: {  	[dreg:$0x4] =	wrdreg $0xC0  }
0xad: {  	_ =	task [dreg:s9], $0x5FFFF  }
0xae: {  	[dreg:$0x1] =	wrdreg $0xFFFFFFFF  }
0xaf: {  	[dreg:$0x0] =	wrdreg $0x60  }
0xb0: {  	[dreg:$0x2] =	wrdreg s2  }
0xb1: {  	[dreg:$0x3] =	wrdreg s19  }
0xb2: {  	[dreg:$0x4] =	wrdreg s4  }
0xb3: {  	[dreg:$0x5] =	wrdreg $0x14F000  }
0xb4: {  	[dreg:$0x6] =	wrdreg $0x9  }
0xb5: {  	_ =	task.clear_ibuf [dreg:s9], $0x7FFFF;
	_ =	strace $0x90000046  }
0xb6: {  	s29 =	simm.s32 $0x9;
	_ =	strace $0x80000048  }
0xb7: {  	_ =	swait.ge [sflag:s29], $0x1  }
0xb8: {  	[sflag:s29] =	ssyncadd.s32 $0xFFFFFFFF  }
0xb9: {  	_ =	strace $0x90000048  }
0xba: {  	_ =	sfence  }
0xbb: {  	s30 =	sld [smem:$0x0];
	_ =	sdelay $0x2  }
0xbc: {  	s31 =	sshll.u32 s1, $0xD;
	s1 =	sshrl.u32 s1, $0x2  }
0xbd: {  	s3 =	sand.u32 $0x4000, s31;
	s1 =	sadd.s32 s1, s30  }
0xbe: {  	s0 =	sor.u32 s3, s0;
	s1 =	sshll.u32 s1, $0x11  }
0xbf: {  	s0 =	sor.u32 s1, s0  }
0xc0: {  	s0 =	sadd.s32 $0x8F2B, s0  }
0xc1: {  	[sflag:s0] =	ssyncadd.remote.s32 $0x1  }
0xc2: {  	_ =	sfence.sel $0xFFFF  }
0xc3: {  	[dreg:$0x0] =	wrdreg $0xFFFFFFFF;
	(pc) =	sbr.abs _section_cstart, $3  }
0xc4: {  	[dreg:$0x1] =	wrdreg $0xFFFFFFFF  }
0xc5: {  	_ =	task.clear_ibuf [dreg:s9], $0x2FFFF;
	_ =	strace $0x9FFFFFFF  }
0xc6: {  	(tm) =	ssettm $0x7FFFFFFF  }
0xc7: {  	_ =	shalt  }
tec
execute0_lowered:
.L_overlay_start_1:
0x0: {  	(tag) =	ssettag $0x1  }
0x1: {  	s1 =	rddreg [dreg:$0x0]  }
0x2: {  	s0 =	rddreg [dreg:$0x1]  }
0x3: {  	s2 =	rddreg [dreg:$0x2]  }
0x4: {  	s3 =	rddreg [dreg:$0x3]  }
0x5: {  	s4 =	srdreg.scid;
	s17 =	stileid.u32;
	s14 =	simm.s32 $0x9  }
0x6: {  	s15 =	simm.s32 $0x80;
	s16 =	simm.s32 $0x9D00;
	s18 =	simm.s32 $0xBD00  }
0x7: {  	s19 =	simm.s32 $0xDD00;
	s20 =	simm.s32 $0x1;
	s21 =	simm.s32 $0xFD00  }
0x8: {  	s22 =	simm.s32 $0x2;
	s23 =	simm.s32 $0x3;
	s24 =	simm.s32 $0x4  }
0x9: {  	s28 =	simm.s32 $0x7;
	s29 =	simm.s32 $0x8;
	s6 =	smul.u32 $0x1380, s17  }
0xa: {  	s30 =	sand.u32 $0x1, s4;
	s4 =	simm.s32 $0x0;
	s8 =	smul.u32 $0x3E800, s17  }
0xb: {  	s25 =	sshll.u32 s17, $0x5;
	s9 =	smul.u32 $0x1F400, s17;
	p0 =	sgt.u32 s17, $0x3  }
0xc: {  	p1 =	sgt.u32 s17, $0x9;
	s5 =	ssub.s32 $0x2, s30;
	[smem:$0x7FF] =	sst s4  }
0xd: {  	s10 =	sshll.u32 s30, $0x6;
	v0 =	vmov s30;
	s30 =	simm.s32 $0x0;
	s7 =	sshrl.u32 s5, $0x1  }
0xe: {  	_ =	strace $0x80000047;
	s26 =	sshrl.u32 s8, $0x2;
	s31 =	sor.u32 s10, s9  }
.Ltmp0:
0xf: {  	s13 =	ssub.s32 s5, s7;
	s5 =	sadd.s32 s0, s6;
	(pc) =	sbr.rel .LBB2_1-.Ltmp0, $4  }
0x10: {  	s0 =	sadd.s32 s25, s0;
	s6 =	sadd.s32 s26, s3;
	s25 =	simm.s32 $0x5  }
0x11: {  	s26 =	simm.s32 $0x6;
	s7 =	sadd.s32 $0x13800, s0;
	s8 =	sadd.s32 $0x3200, s6  }
0x12: {  	s9 =	sadd.s32 $0x6400, s6;
	s10 =	sadd.s32 $0x9600, s6;
	s0 =	sshrl.u32 s31, $0x3  }
0x13: {  	v1 =	vimm.f32 $0.0e+00;
	s11 =	sadd.s32 $0xC800, s6;
	s13 =	smax.u32 s13, $0x1;
	s12 =	sadd.s32 s2, s0  }
.LBB2_9:
0x14: {  	v2 =	vld [tilespmem:$0x9C00]  }
0x15: {  	v3 =	vld [tilespmem:$0x9C10]  }
0x16: {  	v4 =	vld [tilespmem:$0x9C20]  }
0x17: {  	v5 =	vld [tilespmem:$0x9C30]  }
0x18: {  	v6 =	vld [tilespmem:$0x9C40]  }
0x19: {  	v7 =	vld [tilespmem:$0x9C50];
	v2 =	vshll.u32 v2, $0x1  }
0x1a: {  	v8 =	vld [tilespmem:$0x9C60];
	v3 =	vshll.u32 v3, $0x1;
	v2 =	vor.u32 v0, v2  }
0x1b: {  	v63 =	vld [tilespmem:$0x9C70];
	[tilespmem:$0x9C00] =	vst v2;
	v2 =	vor.u32 v0, v3;
	v3 =	vshll.u32 v4, $0x1  }
0x1c: {  	[tilespmem:$0x9C10] =	vst v2;
	v2 =	vor.u32 v0, v3;
	v3 =	vshll.u32 v5, $0x1  }
0x1d: {  	[tilespmem:$0x9C20] =	vst v2;
	v2 =	vor.u32 v0, v3;
	v3 =	vshll.u32 v6, $0x1  }
0x1e: {  	[tilespmem:$0x9C30] =	vst v2;
	v2 =	vor.u32 v0, v3;
	v3 =	vshll.u32 v7, $0x1  }
0x1f: {  	[tilespmem:$0x9C40] =	vst v2;
	v2 =	vor.u32 v0, v3;
	v3 =	vshll.u32 v8, $0x1  }
0x20: {  	[tilespmem:$0x9C50] =	vst v2;
	v2 =	vor.u32 v0, v3;
	v3 =	vshll.u32 v63, $0x1  }
0x21: {  	[tilespmem:$0x9C60] =	vst v2;
	v2 =	vor.u32 v0, v3  }
0x22: {  	s0 =	simm.s32 $0x9C00;
	[tilespmem:$0x9C70] =	vst v2  }
0x23: {  	[tilespmem:s16], [sflag:$0x1] =	stream.indirect.gather [hbm4b:s1+s15], $0x40, s0, s15, $0xb8;
	[tilespmem:$0x1EB40] =	vst v63  }
0x24: {  	_ =	swait.ge [sflag:s20], $0x2000  }
0x25: {  	[sflag:s20] =	ssyncset.done $0x0  }
0x26: {  	s31 =	simm.s32 $0x9C80;
	[sflag:s20] =	ssyncadd.s32 $0xFFFFE000  }
0x27: {  	[spmem:s3] =	stream.indirect.scatter.add.f32 [tilespmem:s16], [sflag:$0x5], $0x40, s31, s15, $0xb8;
	[tilespmem:$0x1EB40] =	vst v63  }
0x28: {  	_ =	swait.ge [sflag:s25], $0x2000  }
0x29: {  	[sflag:s25] =	ssyncset.done $0x0  }
0x2a: {  	[sflag:s25] =	ssyncadd.s32 $0xFFFFE000  }
0x2b: {  	[bflag:$0x0] =	sbarrier.arrive $0xFFFF  }
.LBB2_11:
0x2c: {  	s0 =	stileid.u32  }
0x2d: {  	s0 =	sshll.u32 s0, $0x6  }
0x2e: {  	s2 =	sshrl.u32 s6, $0x3;
	s17 =	simm.s32 $0x10;
	s0 =	sor.u32 $0x1C09, s0  }
0x2f: {  	[hbm:s12@s17], [sflag:s0] =	dma.strided [spmem:s2@s29], $0x1F40, s20, $0x8   }
0x30: {  	_ =	swait.ge [sflag:s14], $0x1F40  }
0x31: {  	[sflag:s14] =	ssyncset.done $0x0  }
0x32: {  	[sflag:s14] =	ssyncadd.s32 $0xFFFFE0C0  }
.LBB2_12:
0x33: {  	s30 =	sadd.s32 $0x1, s30  }
0x34: {  	p2 =	sne.s32 s30, s13  }
.Ltmp1:
0x35: {  	_ = 	snop;
	(pc) =	sbr.rel @!p2 .LBB2_13-.Ltmp1, $1  }
0x36: {  	_ =	sdelay $0x3  }
.LBB2_1:
0x37: {  	[tilespmem:s4], [sflag:$0x9] =	stream.linear.gather [hbm4b:s5+s4], $0x9C00, $0x38;
	[tilespmem:$0x1EB40] =	vst v63  }
0x38: {  	_ =	swait.ge [sflag:s14], $0x9C00  }
0x39: {  	[sflag:s14] =	ssyncset.done $0x0  }
0x3a: {  	s0 =	simm.s32 @!p0 $0x0;
	s2 =	simm.s32 @!p0 $0x9C00;
	[sflag:s14] =	ssyncadd.s32 $0xFFFF6400  }
0x3b: {  	[tilespmem:s2], [sflag:$0x9] =	stream.linear.gather @!p0 [hbm4b:s7+s0], $0x100, $0x38;
	[tilespmem:$0x1EB40] =	vst v63  }
0x3c: {  	s0 =	simm.s32 @!p0 $0x9  }
0x3d: {  	_ =	swait.ge @!p0 [sflag:s0], $0x100  }
0x3e: {  	[sflag:s0] =	ssyncset.done @!p0 $0x0  }
0x3f: {  	[sflag:s0] =	ssyncadd.s32 @!p0 $0xFFFFFF00  }
0x40: {  	v2 =	vld [tilespmem:$0x0]  }
0x41: {  	v3 =	vld [tilespmem:$0x10]  }
0x42: {  	v4 =	vld [tilespmem:$0x20]  }
0x43: {  	v5 =	vld [tilespmem:$0x30]  }
0x44: {  	v6 =	vld [tilespmem:$0x40]  }
0x45: {  	v7 =	vld [tilespmem:$0x50];
	v2 =	vshll.u32 v2, $0x1  }
0x46: {  	v8 =	vld [tilespmem:$0x60];
	v3 =	vshll.u32 v3, $0x1;
	v2 =	vor.u32 v0, v2  }
0x47: {  	v47 =	vld [tilespmem:$0x70];
	[tilespmem:$0x0] =	vst v2;
	v2 =	vor.u32 v0, v3;
	v3 =	vshll.u32 v4, $0x1  }
0x48: {  	v48 =	vld [tilespmem:$0x100];
	[tilespmem:$0x10] =	vst v2;
	v2 =	vor.u32 v0, v3;
	v3 =	vshll.u32 v5, $0x1  }
0x49: {  	v49 =	vld [tilespmem:$0x110];
	[tilespmem:$0x20] =	vst v2;
	v2 =	vor.u32 v0, v3;
	v3 =	vshll.u32 v6, $0x1  }
0x4a: {  	v50 =	vld [tilespmem:$0x120];
	[tilespmem:$0x30] =	vst v2;
	v2 =	vor.u32 v0, v3;
	v3 =	vshll.u32 v7, $0x1  }
0x4b: {  	v51 =	vld [tilespmem:$0x130];
	[tilespmem:$0x40] =	vst v2;
	v2 =	vor.u32 v0, v3;
	v3 =	vshll.u32 v8, $0x1  }
0x4c: {  	v52 =	vld [tilespmem:$0x140];
	[tilespmem:$0x50] =	vst v2;
	v2 =	vor.u32 v0, v3;
	v3 =	vshll.u32 v47, $0x1  }
0x4d: {  	v53 =	vld [tilespmem:$0x150];
	[tilespmem:$0x60] =	vst v2;
	v2 =	vor.u32 v0, v3;
	v3 =	vshll.u32 v48, $0x1  }
0x4e: {  	v54 =	vld [tilespmem:$0x160];
	[tilespmem:$0x70] =	vst v2;
	v2 =	vor.u32 v0, v3;
	v3 =	vshll.u32 v49, $0x1  }
0x4f: {  	v55 =	vld [tilespmem:$0x170];
	[tilespmem:$0x100] =	vst v2;
	v2 =	vor.u32 v0, v3;
	v3 =	vshll.u32 v50, $0x1  }
0x50: {  	v56 =	vld [tilespmem:$0x200];
	[tilespmem:$0x110] =	vst v2;
	v2 =	vor.u32 v0, v3;
	v3 =	vshll.u32 v51, $0x1  }
0x51: {  	v57 =	vld [tilespmem:$0x210];
	[tilespmem:$0x120] =	vst v2;
	v2 =	vor.u32 v0, v3;
	v3 =	vshll.u32 v52, $0x1  }
0x52: {  	v58 =	vld [tilespmem:$0x220];
	[tilespmem:$0x130] =	vst v2;
	v2 =	vor.u32 v0, v3;
	v3 =	vshll.u32 v53, $0x1  }
0x53: {  	v59 =	vld [tilespmem:$0x230];
	[tilespmem:$0x140] =	vst v2;
	v2 =	vor.u32 v0, v3;
	v3 =	vshll.u32 v54, $0x1  }
0x54: {  	v60 =	vld [tilespmem:$0x240];
	[tilespmem:$0x150] =	vst v2;
	v2 =	vor.u32 v0, v3;
	v3 =	vshll.u32 v55, $0x1  }
0x55: {  	v61 =	vld [tilespmem:$0x250];
	[tilespmem:$0x160] =	vst v2;
	v2 =	vor.u32 v0, v3;
	v3 =	vshll.u32 v56, $0x1  }
0x56: {  	v62 =	vld [tilespmem:$0x260];
	[tilespmem:$0x170] =	vst v2;
	v2 =	vor.u32 v0, v3;
	v3 =	vshll.u32 v57, $0x1  }
0x57: {  	v63 =	vld [tilespmem:$0x270];
	[tilespmem:$0x200] =	vst v2;
	v2 =	vor.u32 v0, v3;
	v3 =	vshll.u32 v58, $0x1  }
0x58: {  	[tilespmem:$0x210] =	vst v2;
	v2 =	vor.u32 v0, v3;
	v3 =	vshll.u32 v59, $0x1  }
0x59: {  	[tilespmem:$0x220] =	vst v2;
	v2 =	vor.u32 v0, v3;
	v3 =	vshll.u32 v60, $0x1  }
0x5a: {  	[tilespmem:$0x230] =	vst v2;
	v2 =	vor.u32 v0, v3;
	v3 =	vshll.u32 v61, $0x1  }
0x5b: {  	[tilespmem:$0x240] =	vst v2;
	v2 =	vor.u32 v0, v3;
	v3 =	vshll.u32 v62, $0x1  }
0x5c: {  	[tilespmem:$0x250] =	vst v2;
	v2 =	vor.u32 v0, v3;
	v3 =	vshll.u32 v63, $0x1  }
0x5d: {  	[tilespmem:$0x260] =	vst v2;
	v2 =	vor.u32 v0, v3  }
0x5e: {  	[tilespmem:$0x270] =	vst v2  }
0x5f: {  	[tilespmem:s16], [sflag:$0x1] =	stream.indirect.gather [hbm4b:s1+s15], $0x40, s4, s15, $0xb8;
	[tilespmem:$0x1EB40] =	vst v63  }
0x60: {  	s31 =	simm.s32 $0x100;
	s2 =	simm.s32 $0x100;
	s0 =	simm.s32 $0x0  }
0x61: {  	[tilespmem:s18], [sflag:$0x2] =	stream.indirect.gather [hbm4b:s1+s15], $0x40, s31, s15, $0xb8;
	[tilespmem:$0x1EB40] =	vst v63  }
.LBB2_2:
0x62: {  	p2 =	sne.s32 s2, $0xC700;
	[tilespmem:s0+$0x11D30] =	vst v1;
	s31 =	smov.u32 s2;
	s2 =	sadd.s32 $0x100, s2  }
.Ltmp2:
0x63: {  	[tilespmem:s0+$0x11D20] =	vst v1;
	(pc) =	sbr.rel @p2 .LBB2_2-.Ltmp2, $3  }
0x64: {  	[tilespmem:s0+$0x11D00] =	vst v1  }
0x65: {  	[tilespmem:s0+$0x11D10] =	vst v1;
	_ =	sdelay $0x1  }
0x66: {  	s0 =	sshra.s32 s31, $0x2  }
0x67: {  	[tilespmem:s0+$0x11D30] =	vst v1  }
0x68: {  	[tilespmem:s0+$0x11D20] =	vst v1  }
0x69: {  	[tilespmem:s0+$0x11D00] =	vst v1  }
0x6a: {  	[tilespmem:s0+$0x11D10] =	vst v1;
	s0 =	simm.s32 @!p1 $0x11D00;
	s2 =	simm.s32 @!p1 $0x9  }
0x6b: {  	[spmem:s6] =	stream.linear.scatter @!p1 [tilespmem:s0], [sflag:$0x9], $0x3200, $0x38;
	[tilespmem:$0x1EB40] =	vst v63  }
0x6c: {  	_ =	swait.ge @!p1 [sflag:s2], $0x3200  }
0x6d: {  	[sflag:s2] =	ssyncset.done @!p1 $0x0  }
0x6e: {  	[sflag:s2] =	ssyncadd.s32 @!p1 $0xFFFFCE00  }
0x6f: {  	[spmem:s8] =	stream.linear.scatter @!p1 [tilespmem:s0], [sflag:$0x9], $0x3200, $0x38;
	[tilespmem:$0x1EB40] =	vst v63  }
0x70: {  	_ =	swait.ge @!p1 [sflag:s2], $0x3200  }
0x71: {  	[sflag:s2] =	ssyncset.done @!p1 $0x0  }
0x72: {  	[sflag:s2] =	ssyncadd.s32 @!p1 $0xFFFFCE00  }
0x73: {  	[spmem:s9] =	stream.linear.scatter @!p1 [tilespmem:s0], [sflag:$0x9], $0x3200, $0x38;
	[tilespmem:$0x1EB40] =	vst v63  }
0x74: {  	_ =	swait.ge @!p1 [sflag:s2], $0x3200  }
0x75: {  	[sflag:s2] =	ssyncset.done @!p1 $0x0  }
0x76: {  	[sflag:s2] =	ssyncadd.s32 @!p1 $0xFFFFCE00  }
0x77: {  	[spmem:s10] =	stream.linear.scatter @!p1 [tilespmem:s0], [sflag:$0x9], $0x3200, $0x38;
	[tilespmem:$0x1EB40] =	vst v63  }
0x78: {  	_ =	swait.ge @!p1 [sflag:s2], $0x3200  }
0x79: {  	[sflag:s2] =	ssyncset.done @!p1 $0x0  }
0x7a: {  	[sflag:s2] =	ssyncadd.s32 @!p1 $0xFFFFCE00  }
0x7b: {  	[spmem:s11] =	stream.linear.scatter @!p1 [tilespmem:s0], [sflag:$0x9], $0x3200, $0x38;
	[tilespmem:$0x1EB40] =	vst v63  }
.Ltmp3:
0x7c: {  	_ =	swait.ge @!p1 [sflag:s2], $0x3200;
	(pc) =	sbr.rel .LBB2_4-.Ltmp3, $4  }
0x7d: {  	[sflag:s2] =	ssyncset.done @!p1 $0x0  }
0x7e: {  	[sflag:s2] =	ssyncadd.s32 @!p1 $0xFFFFCE00  }
0x7f: {  	[bflag:$0x0] =	sbarrier.arrive $0xFFFF  }
0x80: {  	s31 =	simm.s32 $0x0  }
.LBB2_6:
0x81: {  	_ =	swait.ge [sflag:s23], $0x2000  }
0x82: {  	[sflag:s23] =	ssyncset.done $0x0  }
0x83: {  	[sflag:s23] =	ssyncadd.s32 $0xFFFFE000  }
0x84: {  	[spmem:s3] =	stream.indirect.scatter.add.f32 [tilespmem:s19], [sflag:$0x7], $0x40, s2, s15, $0xb8;
	[tilespmem:$0x1EB40] =	vst v63  }
.LBB2_7:
0x85: {  	s31 =	sadd.s32 $0x1000, s31  }
0x86: {  	p2 =	sne.s32 s31, $0x27000  }
.Ltmp4:
0x87: {  	_ = 	snop;
	(pc) =	sbr.rel @!p2 .LBB2_8-.Ltmp4, $4  }
0x88: {  	_ =	swait.ge [sflag:s24], $0x2000  }
0x89: {  	[sflag:s24] =	ssyncset.done $0x0  }
0x8a: {  	s0 =	sadd.s32 $0x380, s0;
	[sflag:s24] =	ssyncadd.s32 $0xFFFFE000  }
0x8b: {  	[spmem:s3] =	stream.indirect.scatter.add.f32 [tilespmem:s21], [sflag:$0x8], $0x40, s0, s15, $0xb8;
	[tilespmem:$0x1EB40] =	vst v63  }
.LBB2_4:
0x8c: {  	s0 =	sshra.s32 s31, $0x2  }
0x8d: {  	v2 =	vld [tilespmem:s0+$0x300]  }
0x8e: {  	v3 =	vld [tilespmem:s0+$0x310]  }
0x8f: {  	v4 =	vld [tilespmem:s0+$0x320]  }
0x90: {  	v5 =	vld [tilespmem:s0+$0x330]  }
0x91: {  	v6 =	vld [tilespmem:s0+$0x340]  }
0x92: {  	v7 =	vld [tilespmem:s0+$0x350];
	v2 =	vshll.u32 v2, $0x1  }
0x93: {  	v8 =	vld [tilespmem:s0+$0x360];
	v3 =	vshll.u32 v3, $0x1;
	v2 =	vor.u32 v0, v2  }
0x94: {  	v63 =	vld [tilespmem:s0+$0x370];
	[tilespmem:s0+$0x300] =	vst v2;
	v2 =	vor.u32 v0, v3;
	v3 =	vshll.u32 v4, $0x1  }
0x95: {  	[tilespmem:s0+$0x310] =	vst v2;
	v2 =	vor.u32 v0, v3;
	v3 =	vshll.u32 v5, $0x1  }
0x96: {  	[tilespmem:s0+$0x320] =	vst v2;
	v2 =	vor.u32 v0, v3;
	v3 =	vshll.u32 v6, $0x1  }
0x97: {  	[tilespmem:s0+$0x330] =	vst v2;
	v2 =	vor.u32 v0, v3;
	v3 =	vshll.u32 v7, $0x1  }
0x98: {  	[tilespmem:s0+$0x340] =	vst v2;
	v2 =	vor.u32 v0, v3;
	v3 =	vshll.u32 v8, $0x1  }
0x99: {  	[tilespmem:s0+$0x350] =	vst v2;
	v2 =	vor.u32 v0, v3;
	v3 =	vshll.u32 v63, $0x1  }
0x9a: {  	p2 =	seq.s32 s31, $0x0;
	[tilespmem:s0+$0x360] =	vst v2;
	v2 =	vor.u32 v0, v3  }
0x9b: {  	s2 =	simm.s32 @!p2 $0x7;
	[tilespmem:s0+$0x370] =	vst v2  }
0x9c: {  	_ =	swait.ge @!p2 [sflag:s2], $0x2000  }
0x9d: {  	[sflag:s2] =	ssyncset.done @!p2 $0x0  }
0x9e: {  	s17 =	sadd.s32 $0x200, s0;
	[sflag:s2] =	ssyncadd.s32 @!p2 $0xFFFFE000  }
0x9f: {  	[tilespmem:s19], [sflag:$0x3] =	stream.indirect.gather [hbm4b:s1+s15], $0x40, s17, s15, $0xb8;
	[tilespmem:$0x1EB40] =	vst v63  }
0xa0: {  	_ =	swait.ge [sflag:s20], $0x2000  }
0xa1: {  	p2 =	seq.s32 s31, $0x26000;
	[sflag:s20] =	ssyncset.done $0x0  }
0xa2: {  	s17 =	sadd.s32 $0x80, s0;
	s2 =	sshra.s32 @!p2 s31, $0x2;
	[sflag:s20] =	ssyncadd.s32 $0xFFFFE000  }
0xa3: {  	[spmem:s3] =	stream.indirect.scatter.add.f32 [tilespmem:s16], [sflag:$0x5], $0x40, s17, s15, $0xb8;
	[tilespmem:$0x1EB40] =	vst v63  }
0xa4: {  	v2 =	vld @!p2 [tilespmem:s2+$0x400]  }
0xa5: {  	v3 =	vld @!p2 [tilespmem:s2+$0x410]  }
0xa6: {  	v4 =	vld @!p2 [tilespmem:s2+$0x420]  }
0xa7: {  	v5 =	vld @!p2 [tilespmem:s2+$0x430]  }
0xa8: {  	v6 =	vld @!p2 [tilespmem:s2+$0x440]  }
0xa9: {  	v7 =	vld @!p2 [tilespmem:s2+$0x450];
	v2 =	vshll.u32 @!p2 v2, $0x1  }
0xaa: {  	v8 =	vld @!p2 [tilespmem:s2+$0x460];
	v3 =	vshll.u32 @!p2 v3, $0x1;
	v2 =	vor.u32 @!p2 v0, v2  }
0xab: {  	[tilespmem:s2+$0x400] =	vst @!p2 v2;
	v2 =	vor.u32 @!p2 v0, v3;
	v3 =	vshll.u32 @!p2 v4, $0x1;
	v4 =	vld @!p2 [tilespmem:s2+$0x470]  }
0xac: {  	[tilespmem:s2+$0x410] =	vst @!p2 v2;
	v2 =	vor.u32 @!p2 v0, v3;
	v3 =	vshll.u32 @!p2 v5, $0x1  }
0xad: {  	[tilespmem:s2+$0x420] =	vst @!p2 v2;
	v2 =	vor.u32 @!p2 v0, v3;
	v3 =	vshll.u32 @!p2 v6, $0x1  }
0xae: {  	[tilespmem:s2+$0x430] =	vst @!p2 v2;
	v2 =	vor.u32 @!p2 v0, v3;
	v3 =	vshll.u32 @!p2 v7, $0x1  }
0xaf: {  	[tilespmem:s2+$0x440] =	vst @!p2 v2;
	v2 =	vor.u32 @!p2 v0, v3;
	v3 =	vshll.u32 @!p2 v8, $0x1  }
0xb0: {  	[tilespmem:s2+$0x450] =	vst @!p2 v2;
	v2 =	vor.u32 @!p2 v0, v3;
	v3 =	vshll.u32 @!p2 v4, $0x1  }
0xb1: {  	p3 =	seq.s32 @!p2 s31, $0x0;
	[tilespmem:s2+$0x460] =	vst @!p2 v2;
	v2 =	vor.u32 @!p2 v0, v3  }
0xb2: {  	p3 =	por p2, !p3;
	[tilespmem:s2+$0x470] =	vst @!p2 v2  }
0xb3: {  	_ =	swait.ge @p3 [sflag:s29], $0x2000  }
0xb4: {  	[sflag:s29] =	ssyncset.done @p3 $0x0  }
0xb5: {  	s17 =	sadd.s32 $0x300, s0;
	[sflag:s29] =	ssyncadd.s32 @p3 $0xFFFFE000  }
0xb6: {  	[tilespmem:s21], [sflag:$0x4] =	stream.indirect.gather [hbm4b:s1+s15], $0x40, s17, s15, $0xb8;
	[tilespmem:$0x1EB40] =	vst v63  }
.Ltmp5:
0xb7: {  	_ = 	snop;
	(pc) =	sbr.rel @p2 .LBB2_6-.Ltmp5, $4  }
0xb8: {  	_ =	swait.ge [sflag:s22], $0x2000  }
0xb9: {  	[sflag:s22] =	ssyncset.done $0x0  }
0xba: {  	s2 =	sadd.s32 $0x280, s0;
	s17 =	sadd.s32 $0x180, s0;
	[sflag:s22] =	ssyncadd.s32 $0xFFFFE000  }
0xbb: {  	[spmem:s3] =	stream.indirect.scatter.add.f32 [tilespmem:s18], [sflag:$0x6], $0x40, s17, s15, $0xb8;
	[tilespmem:$0x1EB40] =	vst v63  }
0xbc: {  	v2 =	vld [tilespmem:s0+$0x500]  }
0xbd: {  	v3 =	vld [tilespmem:s0+$0x510]  }
0xbe: {  	v4 =	vld [tilespmem:s0+$0x520]  }
0xbf: {  	v5 =	vld [tilespmem:s0+$0x530]  }
0xc0: {  	v6 =	vld [tilespmem:s0+$0x540]  }
0xc1: {  	v7 =	vld [tilespmem:s0+$0x550];
	v2 =	vshll.u32 v2, $0x1  }
0xc2: {  	v8 =	vld [tilespmem:s0+$0x560];
	v3 =	vshll.u32 v3, $0x1;
	v2 =	vor.u32 v0, v2  }
0xc3: {  	v57 =	vld [tilespmem:s0+$0x570];
	[tilespmem:s0+$0x500] =	vst v2;
	v2 =	vor.u32 v0, v3;
	v3 =	vshll.u32 v4, $0x1  }
0xc4: {  	[tilespmem:s0+$0x510] =	vst v2;
	v2 =	vor.u32 v0, v3;
	v3 =	vshll.u32 v5, $0x1  }
0xc5: {  	[tilespmem:s0+$0x520] =	vst v2;
	v2 =	vor.u32 v0, v3;
	v3 =	vshll.u32 v6, $0x1  }
0xc6: {  	[tilespmem:s0+$0x530] =	vst v2;
	v2 =	vor.u32 v0, v3;
	v3 =	vshll.u32 v7, $0x1  }
0xc7: {  	[tilespmem:s0+$0x540] =	vst v2;
	v2 =	vor.u32 v0, v3;
	v3 =	vshll.u32 v8, $0x1  }
0xc8: {  	[tilespmem:s0+$0x550] =	vst v2;
	v2 =	vor.u32 v0, v3;
	v3 =	vshll.u32 v57, $0x1  }
0xc9: {  	[tilespmem:s0+$0x560] =	vst v2;
	v2 =	vor.u32 v0, v3  }
0xca: {  	[tilespmem:s0+$0x570] =	vst v2  }
0xcb: {  	_ =	swait.ge [sflag:s25], $0x2000  }
0xcc: {  	[sflag:s25] =	ssyncset.done $0x0  }
0xcd: {  	s17 =	sadd.s32 $0x400, s0;
	[sflag:s25] =	ssyncadd.s32 $0xFFFFE000  }
0xce: {  	[tilespmem:s16], [sflag:$0x1] =	stream.indirect.gather [hbm4b:s1+s15], $0x40, s17, s15, $0xb8;
	[tilespmem:$0x1EB40] =	vst v63  }
0xcf: {  	_ =	swait.ge [sflag:s23], $0x2000  }
0xd0: {  	[sflag:s23] =	ssyncset.done $0x0  }
0xd1: {  	[sflag:s23] =	ssyncadd.s32 $0xFFFFE000  }
0xd2: {  	[spmem:s3] =	stream.indirect.scatter.add.f32 [tilespmem:s19], [sflag:$0x7], $0x40, s2, s15, $0xb8;
	[tilespmem:$0x1EB40] =	vst v63  }
0xd3: {  	v2 =	vld [tilespmem:s0+$0x600]  }
0xd4: {  	v3 =	vld [tilespmem:s0+$0x610]  }
0xd5: {  	v58 =	vld [tilespmem:s0+$0x620]  }
0xd6: {  	v59 =	vld [tilespmem:s0+$0x630]  }
0xd7: {  	v60 =	vld [tilespmem:s0+$0x640]  }
0xd8: {  	v61 =	vld [tilespmem:s0+$0x650];
	v2 =	vshll.u32 v2, $0x1  }
0xd9: {  	v62 =	vld [tilespmem:s0+$0x660];
	v3 =	vshll.u32 v3, $0x1;
	v2 =	vor.u32 v0, v2  }
0xda: {  	v63 =	vld [tilespmem:s0+$0x670];
	[tilespmem:s0+$0x600] =	vst v2;
	v2 =	vor.u32 v0, v3;
	v3 =	vshll.u32 v58, $0x1  }
0xdb: {  	[tilespmem:s0+$0x610] =	vst v2;
	v2 =	vor.u32 v0, v3;
	v3 =	vshll.u32 v59, $0x1  }
0xdc: {  	[tilespmem:s0+$0x620] =	vst v2;
	v2 =	vor.u32 v0, v3;
	v3 =	vshll.u32 v60, $0x1  }
0xdd: {  	[tilespmem:s0+$0x630] =	vst v2;
	v2 =	vor.u32 v0, v3;
	v3 =	vshll.u32 v61, $0x1  }
0xde: {  	[tilespmem:s0+$0x640] =	vst v2;
	v2 =	vor.u32 v0, v3;
	v3 =	vshll.u32 v62, $0x1  }
0xdf: {  	[tilespmem:s0+$0x650] =	vst v2;
	v2 =	vor.u32 v0, v3;
	v3 =	vshll.u32 v63, $0x1  }
0xe0: {  	[tilespmem:s0+$0x660] =	vst v2;
	v2 =	vor.u32 v0, v3  }
.Ltmp6:
0xe1: {  	[tilespmem:s0+$0x670] =	vst v2;
	(pc) =	sbr.rel .LBB2_7-.Ltmp6, $4  }
0xe2: {  	_ =	swait.ge [sflag:s26], $0x2000  }
0xe3: {  	[sflag:s26] =	ssyncset.done $0x0  }
0xe4: {  	s17 =	sadd.s32 $0x500, s0;
	[sflag:s26] =	ssyncadd.s32 $0xFFFFE000  }
0xe5: {  	[tilespmem:s18], [sflag:$0x2] =	stream.indirect.gather [hbm4b:s1+s15], $0x40, s17, s15, $0xb8;
	[tilespmem:$0x1EB40] =	vst v63  }
.LBB2_8:
0xe6: {  	_ =	swait.ge [sflag:s25], $0x2000  }
0xe7: {  	[sflag:s25] =	ssyncset.done $0x0  }
0xe8: {  	[sflag:s25] =	ssyncadd.s32 $0xFFFFE000  }
0xe9: {  	_ =	swait.ge [sflag:s26], $0x2000  }
0xea: {  	[sflag:s26] =	ssyncset.done $0x0  }
0xeb: {  	[sflag:s26] =	ssyncadd.s32 $0xFFFFE000  }
0xec: {  	_ =	swait.ge [sflag:s28], $0x2000  }
.Ltmp7:
0xed: {  	[sflag:s28] =	ssyncset.done $0x0;
	(pc) =	sbr.rel @!p0 .LBB2_9-.Ltmp7, $4  }
0xee: {  	[sflag:s28] =	ssyncadd.s32 $0xFFFFE000  }
0xef: {  	_ =	swait.ge [sflag:s29], $0x2000  }
0xf0: {  	[sflag:s29] =	ssyncset.done $0x0  }
0xf1: {  	[sflag:s29] =	ssyncadd.s32 $0xFFFFE000  }
.Ltmp8:
0xf2: {  	(pc) =	sbr.rel @p1 .LBB2_12-.Ltmp8, $4  }
.Ltmp9:
0xf3: {  	(pc) =	sbr.rel @!p1 .LBB2_11-.Ltmp9, $4  }
0xf4: {  	_ = 	snop  }
0xf5: {  	[bflag:$0x0] =	sbarrier.arrive $0xFFFF  }
0xf6: {  	_ = 	snop  }
0xf7: {  	_ = 	snop  }
.LBB2_13:
0xf8: {  	_ =	sfence.sel $0x180000  }
0xf9: {  	[bflag:$0x0] =	sbarrier.arrive $0xFFFF  }
0xfa: {  	_ =	strace $0x90000047  }
0xfb: {  	s0 =	stileid.u32;
	[bflag:$0x2] =	sbarrier.arrive $0xFFFF  }
0xfc: {  	p0 =	sne.s32 s0, $0x0;
	s0 =	rddreg [dreg:$0x4]  }
0xfd: {  	s0 =	sadd.s32 @!p0 $0x100000, s0  }
0xfe: {  	[sflag:s0] =	ssyncadd.tile.s32 @!p0 $0x1;
	_ =	shalt  }
.Lfunc_end2:
_tile_overlayer_lowered:
.L_overlay_start_2:
0xff: {  	(tag) =	ssettag $0x2  }
0x100: {  	s0 =	rddreg [dreg:$0x0];
	s2 =	stileid.u32  }
0x101: {  	s1 =	rddreg [dreg:$0x1];
	p0 =	sne.s32 s2, $0x0  }
0x102: {  	s3 =	rddreg [dreg:$0x2];
	[bflag:$0x3] =	sbarrier.arrive $0xFFFF;
	s2 =	simm.s32 @!p0 $0x1C09  }
0x103: {  	[timem:s3], [sflag:s2] =	dma.local @!p0 [hbm:s0], s1  }
0x104: {  	s0 =	simm.s32 @!p0 $0x9  }
0x105: {  	_ =	swait.ge @!p0 [sflag:s0], s1  }
0x106: {  	s1 =	ssub.s32 @!p0 $0x0, s1;
	[sflag:s0] =	ssyncset.done @!p0 $0x0  }
0x107: {  	[sflag:s0] =	ssyncadd.s32 @!p0 s1  }
0x108: {  	[bflag:$0x3] =	sbarrier.arrive $0xFFFF  }
0x109: {  	_ =	shalt  }

</sc_bundles>
